<compile_context>
chip_gen: v7x
topology: tpu7x:2x2x1
jax: 0.10.2.dev20260603
libtpu: 0.0.44.dev20260713+nightly
codegen_flags: <defaults>
</compile_context>

<pallas_src>
import functools

import jax
import jax.numpy as jnp
from jax import lax
from jax.experimental import pallas as pl
from jax.experimental.pallas import tpu as pltpu
from jax.experimental.pallas import tpu_sc as plsc

_DIM = 32
_NB = 16384
_S = 50
_QMAX = 31.0
_NW = 32
_ROWS = _NB * _S
_PW = _ROWS // _NW
_CHUNK = 1600
_NCHUNK = _PW // _CHUNK
_MAGIC = 1.5 * 2.0 ** 23


def _round_ne(x):
    return (x + _MAGIC) - _MAGIC


_GATHER_DNUMS = lax.GatherDimensionNumbers(
    offset_dims=(), collapsed_slice_dims=(0,), start_index_map=(0,)
)


def _shuffle(v, idx):
    return lax.gather(
        v,
        idx[:, None],
        _GATHER_DNUMS,
        slice_sizes=(1,),
        mode=lax.GatherScatterMode.PROMISE_IN_BOUNDS,
    )


def _lane_max_all(m):
    lanes = lax.iota(jnp.int32, 16)
    for d in (8, 4, 2, 1):
        m = jnp.maximum(m, _shuffle(m, lanes ^ d))
    return m


def _quantize_inplace(buf):

    @plsc.parallel_loop(0, _CHUNK, unroll=4)
    def body(r):
        v0 = buf[r, pl.ds(0, 16)]
        v1 = buf[r, pl.ds(16, 16)]
        m = _lane_max_all(jnp.maximum(jnp.abs(v0), jnp.abs(v1)))
        scale = m / _QMAX
        scale = jnp.where(scale == 0.0, 1.0, scale)
        inv = 1.0 / scale
        buf[r, pl.ds(0, 16)] = _round_ne(v0 * inv) * scale
        buf[r, pl.ds(16, 16)] = _round_ne(v1 * inv) * scale


def _make_kernel():
    mesh = plsc.VectorSubcoreMesh(core_axis_name="c", subcore_axis_name="s")

    @functools.partial(
        pl.kernel,
        out_type=jax.ShapeDtypeStruct((_ROWS, _DIM), jnp.float32),
        mesh=mesh,
        scratch_types=[
            pltpu.VMEM((_CHUNK,), jnp.int32),
            pltpu.VMEM((_CHUNK,), jnp.int32),
            pltpu.VMEM((_CHUNK, _DIM), jnp.float32),
            pltpu.VMEM((_CHUNK, _DIM), jnp.float32),
            pltpu.SemaphoreType.DMA,
            pltpu.SemaphoreType.DMA,
        ],
        compiler_params=pltpu.CompilerParams(use_tc_tiling_on_sc=False),
    )
    def k(table_hbm, idx_hbm, out_hbm, idxs0, idxs1, buf0, buf1,
          gsem0, gsem1):
        wid = lax.axis_index("s") * 2 + lax.axis_index("c")
        r0 = wid * _PW
        idxs = (idxs0, idxs1)
        buf = (buf0, buf1)
        gsem = (gsem0, gsem1)

        def fire_gather(c, p):
            start = r0 + c * _CHUNK
            pltpu.sync_copy(idx_hbm.at[pl.ds(start, _CHUNK)], idxs[p])
            pltpu.async_copy(table_hbm.at[idxs[p]], buf[p], gsem[p])

        def step(c, p):
            pltpu.make_async_copy(
                table_hbm.at[idxs[p]], buf[p], gsem[p]
            ).wait()
            _quantize_inplace(buf[p])
            start = r0 + c * _CHUNK
            pltpu.sync_copy(buf[p], out_hbm.at[pl.ds(start, _CHUNK)])

        fire_gather(0, 0)
        fire_gather(1, 1)

        def body(i, carry):
            c0 = 2 * i
            step(c0, 0)

            @pl.when(i < _NCHUNK // 2 - 1)
            def _():
                fire_gather(c0 + 2, 0)

            step(c0 + 1, 1)

            @pl.when(i < _NCHUNK // 2 - 1)
            def _():
                fire_gather(c0 + 3, 1)

            return carry

        lax.fori_loop(0, _NCHUNK // 2, body, jnp.int32(0))

    return k


_kernel_call = _make_kernel()


@jax.jit
def kernel(input, weight):
    idx = input.reshape(-1).astype(jnp.int32)
    out = _kernel_call(weight, idx)
    return out.reshape(_NB, _S, _DIM)

# --- scband reference (transcript-rebuilt; emitter-appended) ---
"""Pipeline reference for scband-axsembedding-74852690034812 (READ-ONLY COPY).

The authoritative reference and input builder live on the scoring server;
editing this copy changes nothing except your own understanding.
"""

import jax, jax.numpy as jnp
import numpy as np

NUM_EMBEDDINGS = 1000000
EMBEDDING_DIM = 32
PADDING_IDX = 0
BLOCK_SIZE = 32
Q_MAX = 31.0  # 6-bit signed: levels in [-32, 31]
Q_MIN = -32.0


def fake_quantize(x, block_size):
    # Block-wise absmax fake quantization to 6-bit (AXS-6), with
    # straight-through estimator semantics (dequantized values in fwd).
    orig_shape = x.shape
    xb = x.reshape(-1, block_size)
    absmax = jnp.max(jnp.abs(xb), axis=-1, keepdims=True)
    scale = absmax / Q_MAX
    scale = jnp.where(scale == 0.0, 1.0, scale)
    q = jnp.clip(jnp.round(xb / scale), Q_MIN, Q_MAX)
    deq = (q * scale).reshape(orig_shape)
    # straight-through: forward value is deq, gradient is identity
    return x + jax.lax.stop_gradient(deq - x)


def setup_inputs(seed: int = 0) -> dict:
    key = jax.random.key(seed)
    k_idx, k_w = jax.random.split(key)
    input = jax.random.randint(k_idx, (16384, 50), 0, NUM_EMBEDDINGS, dtype=jnp.int64 if jax.config.jax_enable_x64 else jnp.int32)
    weight = jax.random.normal(k_w, (NUM_EMBEDDINGS, EMBEDDING_DIM), dtype=jnp.float32)
    weight = weight.at[PADDING_IDX].set(0.0)
    return {"input": input, "weight": weight}


def reference(input, weight):
    # F.embedding(input, weight, padding_idx) -> simple gather in forward
    raw = jnp.take(weight, input, axis=0)
    return fake_quantize(raw, BLOCK_SIZE)

if __name__ == "__main__":
    import jax
    _d = setup_inputs()
    print(jax.jit(kernel)(*tuple(_d.values())))

</pallas_src>

<mosaic_0001>
#map = affine_map<(d0, d1) -> (0, 0)>
#map1 = affine_map<(d0, d1) -> (0)>
module attributes {stable_mosaic.version = 14 : i64} {
  func.func @k(%arg0: i32, %arg1: i32, %arg2: memref<1000000x32xf32, #tpu.memory_space<hbm>>, %arg3: memref<819200xi32, #tpu.memory_space<hbm>>, %arg4: memref<819200x32xf32, #tpu.memory_space<hbm>>, %arg5: memref<1600xi32, #tpu.memory_space<vmem>>, %arg6: memref<1600xi32, #tpu.memory_space<vmem>>, %arg7: memref<1600x32xf32, #tpu.memory_space<vmem>>, %arg8: memref<1600x32xf32, #tpu.memory_space<vmem>>, %arg9: memref<!tpu.dma_semaphore, #tpu.memory_space<semaphore_mem>>, %arg10: memref<!tpu.dma_semaphore, #tpu.memory_space<semaphore_mem>>) attributes {dimension_semantics = [#tpu.dimension_semantics<core_parallel>, #tpu.dimension_semantics<subcore_parallel>], iteration_bounds = array<i64: 2, 16>, scalar_prefetch = 0 : i64, scratch_operands = 6 : i64, tpu.core_type = #tpu.core_type<sc_vector_subcore>, window_params = [{transform_indices = #map}, {transform_indices = #map1}, {transform_indices = #map}]} {
    %mul3A = arith.constant 2 : i32
    %mul3A_0 = arith.muli %arg1, %mul3A : i32
    %add3A = arith.addi %mul3A_0, %arg0 : i32
    %mul3A_1 = arith.constant 25600 : i32
    %mul3A_2 = arith.muli %add3A, %mul3A_1 : i32
    %add3A_3 = arith.constant 0 : i32
    %add3A_4 = arith.addi %mul3A_2, %add3A_3 : i32
    "tpu.region"() ({
      %run_scoped3A = tpu.sem_alloc : memref<!tpu.dma_semaphore, #tpu.memory_space<semaphore_mem>>
      %dma_start3A_17 = tpu.memref_slice %arg3[%add3A_4] : memref<819200xi32, #tpu.memory_space<hbm>> -> memref<1600xi32, #tpu.memory_space<hbm>>
      %dma_start3A_18 = tpu.memref_slice %arg3[%add3A_4] : memref<819200xi32, #tpu.memory_space<hbm>> -> memref<1600xi32, #tpu.memory_space<hbm>>
      tpu.enqueue_dma source(%dma_start3A_18 : memref<1600xi32, #tpu.memory_space<hbm>>) target(%arg5 : memref<1600xi32, #tpu.memory_space<vmem>>) target_semaphore(%run_scoped3A : memref<!tpu.dma_semaphore, #tpu.memory_space<semaphore_mem>>)
      %dma_wait3A = tpu.memref_slice %arg3[%add3A_4] : memref<819200xi32, #tpu.memory_space<hbm>> -> memref<1600xi32, #tpu.memory_space<hbm>>
      %dma_wait3A_19 = tpu.memref_slice %arg3[%add3A_4] : memref<819200xi32, #tpu.memory_space<hbm>> -> memref<1600xi32, #tpu.memory_space<hbm>>
      tpu.wait_dma2 semaphore(%run_scoped3A : memref<!tpu.dma_semaphore, #tpu.memory_space<semaphore_mem>>) src(%dma_wait3A_19 : memref<1600xi32, #tpu.memory_space<hbm>>) dst(%arg5 : memref<1600xi32, #tpu.memory_space<vmem>>)
      tpu.yield
    }) : () -> ()
    %dma_start3A = arith.constant 0 : i32
    %dma_start3A_5 = arith.constant 0 : i32
    %dma_start3A_6 = tpu.memref_slice %arg2[%dma_start3A, %dma_start3A_5] : memref<1000000x32xf32, #tpu.memory_space<hbm>> -> memref<1000000x32xf32, #tpu.memory_space<hbm>>
    tpu.enqueue_indirect_dma source(%dma_start3A_6 : memref<1000000x32xf32, #tpu.memory_space<hbm>>) target(%arg7 : memref<1600x32xf32, #tpu.memory_space<vmem>>) offsets(%arg5 : memref<1600xi32, #tpu.memory_space<vmem>>) semaphore(%arg9 : memref<!tpu.dma_semaphore, #tpu.memory_space<semaphore_mem>>)
    %add3A_7 = arith.constant 1600 : i32
    %add3A_8 = arith.addi %mul3A_2, %add3A_7 : i32
    "tpu.region"() ({
      %run_scoped3A = tpu.sem_alloc : memref<!tpu.dma_semaphore, #tpu.memory_space<semaphore_mem>>
      %dma_start3A_17 = tpu.memref_slice %arg3[%add3A_8] : memref<819200xi32, #tpu.memory_space<hbm>> -> memref<1600xi32, #tpu.memory_space<hbm>>
      %dma_start3A_18 = tpu.memref_slice %arg3[%add3A_8] : memref<819200xi32, #tpu.memory_space<hbm>> -> memref<1600xi32, #tpu.memory_space<hbm>>
      tpu.enqueue_dma source(%dma_start3A_18 : memref<1600xi32, #tpu.memory_space<hbm>>) target(%arg6 : memref<1600xi32, #tpu.memory_space<vmem>>) target_semaphore(%run_scoped3A : memref<!tpu.dma_semaphore, #tpu.memory_space<semaphore_mem>>)
      %dma_wait3A = tpu.memref_slice %arg3[%add3A_8] : memref<819200xi32, #tpu.memory_space<hbm>> -> memref<1600xi32, #tpu.memory_space<hbm>>
      %dma_wait3A_19 = tpu.memref_slice %arg3[%add3A_8] : memref<819200xi32, #tpu.memory_space<hbm>> -> memref<1600xi32, #tpu.memory_space<hbm>>
      tpu.wait_dma2 semaphore(%run_scoped3A : memref<!tpu.dma_semaphore, #tpu.memory_space<semaphore_mem>>) src(%dma_wait3A_19 : memref<1600xi32, #tpu.memory_space<hbm>>) dst(%arg6 : memref<1600xi32, #tpu.memory_space<vmem>>)
      tpu.yield
    }) : () -> ()
    %dma_start3A_9 = arith.constant 0 : i32
    %dma_start3A_10 = arith.constant 0 : i32
    %dma_start3A_11 = tpu.memref_slice %arg2[%dma_start3A_9, %dma_start3A_10] : memref<1000000x32xf32, #tpu.memory_space<hbm>> -> memref<1000000x32xf32, #tpu.memory_space<hbm>>
    tpu.enqueue_indirect_dma source(%dma_start3A_11 : memref<1000000x32xf32, #tpu.memory_space<hbm>>) target(%arg8 : memref<1600x32xf32, #tpu.memory_space<vmem>>) offsets(%arg6 : memref<1600xi32, #tpu.memory_space<vmem>>) semaphore(%arg10 : memref<!tpu.dma_semaphore, #tpu.memory_space<semaphore_mem>>)
    %scan3A = arith.constant 0 : i32
    %scan3A_12 = arith.constant 0 : i32
    %scan3A_13 = arith.constant 8 : i32
    %scan3A_14 = arith.addi %scan3A_12, %scan3A_13 : i32
    %scan3A_15 = arith.constant 1 : i32
    scf.for %scan3A_17 = %scan3A_12 to %scan3A_14 step %scan3A_15  : i32 {
      %mul3A_18 = arith.constant 2 : i32
      %mul3A_19 = arith.muli %mul3A_18, %scan3A_17 : i32
      %dma_wait3A = arith.constant 0 : i32
      %dma_wait3A_20 = arith.constant 0 : i32
      %dma_wait3A_21 = tpu.memref_slice %arg2[%dma_wait3A, %dma_wait3A_20] : memref<1000000x32xf32, #tpu.memory_space<hbm>> -> memref<1000000x32xf32, #tpu.memory_space<hbm>>
      tpu.wait_indirect_dma semaphore(%arg9 : memref<!tpu.dma_semaphore, #tpu.memory_space<semaphore_mem>>) src(%dma_wait3A_21 : memref<1000000x32xf32, #tpu.memory_space<hbm>>) dst(%arg7 : memref<1600x32xf32, #tpu.memory_space<vmem>>)
      %parallel_loop3A = arith.constant 0 : i32
      %parallel_loop3A_22 = arith.constant 1600 : i32
      %parallel_loop3A_23 = arith.constant 1 : i32
      scf.for %parallel_loop3A_45 = %parallel_loop3A to %parallel_loop3A_22 step %parallel_loop3A_23  : i32 {
        %parallel_loop3A_46 = arith.index_cast %parallel_loop3A_45 : i32 to index
        %parallel_loop3A_47 = arith.constant 0 : index
        %parallel_loop3A_48 = tpu.vector_load %arg7[%parallel_loop3A_46, %parallel_loop3A_47] {strides = array<i32>} : memref<1600x32xf32, #tpu.memory_space<vmem>>, vector<1x16xf32>,
        %parallel_loop3A_49 = vector.shape_cast %parallel_loop3A_48 : vector<1x16xf32> to vector<16xf32>
        %parallel_loop3A_50 = arith.index_cast %parallel_loop3A_45 : i32 to index
        %parallel_loop3A_51 = arith.constant 16 : index
        %parallel_loop3A_52 = tpu.vector_load %arg7[%parallel_loop3A_50, %parallel_loop3A_51] {strides = array<i32>} : memref<1600x32xf32, #tpu.memory_space<vmem>>, vector<1x16xf32>,
        %parallel_loop3A_53 = vector.shape_cast %parallel_loop3A_52 : vector<1x16xf32> to vector<16xf32>
        %parallel_loop3A_54 = math.absf %parallel_loop3A_49 : vector<16xf32>
        %parallel_loop3A_55 = math.absf %parallel_loop3A_53 : vector<16xf32>
        %parallel_loop3A_56 = arith.maximumf %parallel_loop3A_54, %parallel_loop3A_55 : vector<16xf32>
        %parallel_loop3A_57 = tpu.iota {dimensions = array<i32: 0>} : vector<16xi32>
        %parallel_loop3A_58 = arith.constant 8 : i32
        %parallel_loop3A_59 = vector.broadcast %parallel_loop3A_58 : i32 to vector<16xi32>
        %parallel_loop3A_60 = arith.xori %parallel_loop3A_57, %parallel_loop3A_59 : vector<16xi32>
        %parallel_loop3A_61 = vector.shape_cast %parallel_loop3A_60 : vector<16xi32> to vector<16x1xi32>
        %parallel_loop3A_62 = vector.shape_cast %parallel_loop3A_61 : vector<16x1xi32> to vector<16xi32>
        %parallel_loop3A_63 = tpu.dynamic_gather %parallel_loop3A_56[%parallel_loop3A_62] in [0] : vector<16xf32>, vector<16xi32> -> vector<16xf32>
        %parallel_loop3A_64 = arith.maximumf %parallel_loop3A_56, %parallel_loop3A_63 : vector<16xf32>
        %parallel_loop3A_65 = arith.constant 4 : i32
        %parallel_loop3A_66 = vector.broadcast %parallel_loop3A_65 : i32 to vector<16xi32>
        %parallel_loop3A_67 = arith.xori %parallel_loop3A_57, %parallel_loop3A_66 : vector<16xi32>
        %parallel_loop3A_68 = vector.shape_cast %parallel_loop3A_67 : vector<16xi32> to vector<16x1xi32>
        %parallel_loop3A_69 = vector.shape_cast %parallel_loop3A_68 : vector<16x1xi32> to vector<16xi32>
        %parallel_loop3A_70 = tpu.dynamic_gather %parallel_loop3A_64[%parallel_loop3A_69] in [0] : vector<16xf32>, vector<16xi32> -> vector<16xf32>
        %parallel_loop3A_71 = arith.maximumf %parallel_loop3A_64, %parallel_loop3A_70 : vector<16xf32>
        %parallel_loop3A_72 = arith.constant 2 : i32
        %parallel_loop3A_73 = vector.broadcast %parallel_loop3A_72 : i32 to vector<16xi32>
        %parallel_loop3A_74 = arith.xori %parallel_loop3A_57, %parallel_loop3A_73 : vector<16xi32>
        %parallel_loop3A_75 = vector.shape_cast %parallel_loop3A_74 : vector<16xi32> to vector<16x1xi32>
        %parallel_loop3A_76 = vector.shape_cast %parallel_loop3A_75 : vector<16x1xi32> to vector<16xi32>
        %parallel_loop3A_77 = tpu.dynamic_gather %parallel_loop3A_71[%parallel_loop3A_76] in [0] : vector<16xf32>, vector<16xi32> -> vector<16xf32>
        %parallel_loop3A_78 = arith.maximumf %parallel_loop3A_71, %parallel_loop3A_77 : vector<16xf32>
        %parallel_loop3A_79 = arith.constant 1 : i32
        %parallel_loop3A_80 = vector.broadcast %parallel_loop3A_79 : i32 to vector<16xi32>
        %parallel_loop3A_81 = arith.xori %parallel_loop3A_57, %parallel_loop3A_80 : vector<16xi32>
        %parallel_loop3A_82 = vector.shape_cast %parallel_loop3A_81 : vector<16xi32> to vector<16x1xi32>
        %parallel_loop3A_83 = vector.shape_cast %parallel_loop3A_82 : vector<16x1xi32> to vector<16xi32>
        %parallel_loop3A_84 = tpu.dynamic_gather %parallel_loop3A_78[%parallel_loop3A_83] in [0] : vector<16xf32>, vector<16xi32> -> vector<16xf32>
        %parallel_loop3A_85 = arith.maximumf %parallel_loop3A_78, %parallel_loop3A_84 : vector<16xf32>
        %parallel_loop3A_86 = arith.constant 3.100000e+01 : f32
        %parallel_loop3A_87 = vector.broadcast %parallel_loop3A_86 : f32 to vector<16xf32>
        %parallel_loop3A_88 = arith.divf %parallel_loop3A_85, %parallel_loop3A_87 : vector<16xf32>
        %parallel_loop3A_89 = arith.constant 0.000000e+00 : f32
        %parallel_loop3A_90 = vector.broadcast %parallel_loop3A_89 : f32 to vector<16xf32>
        %parallel_loop3A_91 = arith.cmpf oeq, %parallel_loop3A_88, %parallel_loop3A_90 : vector<16xf32>
        %parallel_loop3A_92 = arith.constant 1.000000e+00 : f32
        %parallel_loop3A_93 = vector.broadcast %parallel_loop3A_92 : f32 to vector<16xf32>
        %parallel_loop3A_94 = arith.select %parallel_loop3A_91, %parallel_loop3A_93, %parallel_loop3A_88 : vector<16xi1>, vector<16xf32>
        %parallel_loop3A_95 = arith.constant 1.000000e+00 : f32
        %parallel_loop3A_96 = vector.broadcast %parallel_loop3A_95 : f32 to vector<16xf32>
        %parallel_loop3A_97 = arith.divf %parallel_loop3A_96, %parallel_loop3A_94 : vector<16xf32>
        %parallel_loop3A_98 = arith.mulf %parallel_loop3A_49, %parallel_loop3A_97 : vector<16xf32>
        %parallel_loop3A_99 = arith.constant 0x4B400000 : f32
        %parallel_loop3A_100 = vector.broadcast %parallel_loop3A_99 : f32 to vector<16xf32>
        %parallel_loop3A_101 = arith.addf %parallel_loop3A_98, %parallel_loop3A_100 : vector<16xf32>
        %parallel_loop3A_102 = arith.constant 0x4B400000 : f32
        %parallel_loop3A_103 = vector.broadcast %parallel_loop3A_102 : f32 to vector<16xf32>
        %parallel_loop3A_104 = arith.subf %parallel_loop3A_101, %parallel_loop3A_103 : vector<16xf32>
        %parallel_loop3A_105 = arith.mulf %parallel_loop3A_104, %parallel_loop3A_94 : vector<16xf32>
        %parallel_loop3A_106 = arith.index_cast %parallel_loop3A_45 : i32 to index
        %parallel_loop3A_107 = arith.constant 0 : index
        %parallel_loop3A_108 = tpu.vector_load %arg7[%parallel_loop3A_106, %parallel_loop3A_107] {strides = array<i32>} : memref<1600x32xf32, #tpu.memory_space<vmem>>, vector<1x16xf32>,
        %parallel_loop3A_109 = vector.shape_cast %parallel_loop3A_108 : vector<1x16xf32> to vector<16xf32>
        %parallel_loop3A_110 = vector.shape_cast %parallel_loop3A_105 : vector<16xf32> to vector<1x16xf32>
        tpu.vector_store %arg7[%parallel_loop3A_106, %parallel_loop3A_107], %parallel_loop3A_110 {strides = array<i32>} : memref<1600x32xf32, #tpu.memory_space<vmem>>, vector<1x16xf32>,
        %parallel_loop3A_111 = arith.mulf %parallel_loop3A_53, %parallel_loop3A_97 : vector<16xf32>
        %parallel_loop3A_112 = arith.constant 0x4B400000 : f32
        %parallel_loop3A_113 = vector.broadcast %parallel_loop3A_112 : f32 to vector<16xf32>
        %parallel_loop3A_114 = arith.addf %parallel_loop3A_111, %parallel_loop3A_113 : vector<16xf32>
        %parallel_loop3A_115 = arith.constant 0x4B400000 : f32
        %parallel_loop3A_116 = vector.broadcast %parallel_loop3A_115 : f32 to vector<16xf32>
        %parallel_loop3A_117 = arith.subf %parallel_loop3A_114, %parallel_loop3A_116 : vector<16xf32>
        %parallel_loop3A_118 = arith.mulf %parallel_loop3A_117, %parallel_loop3A_94 : vector<16xf32>
        %parallel_loop3A_119 = arith.index_cast %parallel_loop3A_45 : i32 to index
        %parallel_loop3A_120 = arith.constant 16 : index
        %parallel_loop3A_121 = tpu.vector_load %arg7[%parallel_loop3A_119, %parallel_loop3A_120] {strides = array<i32>} : memref<1600x32xf32, #tpu.memory_space<vmem>>, vector<1x16xf32>,
        %parallel_loop3A_122 = vector.shape_cast %parallel_loop3A_121 : vector<1x16xf32> to vector<16xf32>
        %parallel_loop3A_123 = vector.shape_cast %parallel_loop3A_118 : vector<16xf32> to vector<1x16xf32>
        tpu.vector_store %arg7[%parallel_loop3A_119, %parallel_loop3A_120], %parallel_loop3A_123 {strides = array<i32>} : memref<1600x32xf32, #tpu.memory_space<vmem>>, vector<1x16xf32>,
      } {sc.loop_unroll_factor = 4 : i64, sc.parallel_access}
      %mul3A_24 = arith.constant 1600 : i32
      %mul3A_25 = arith.muli %mul3A_19, %mul3A_24 : i32
      %add3A_26 = arith.addi %mul3A_2, %mul3A_25 : i32
      "tpu.region"() ({
        %run_scoped3A = tpu.sem_alloc : memref<!tpu.dma_semaphore, #tpu.memory_space<semaphore_mem>>
        %dma_start3A_45 = arith.constant 0 : i32
        %dma_start3A_46 = tpu.memref_slice %arg4[%add3A_26, %dma_start3A_45] : memref<819200x32xf32, #tpu.memory_space<hbm>> -> memref<1600x32xf32, #tpu.memory_space<hbm>>
        %dma_start3A_47 = arith.constant 0 : i32
        %dma_start3A_48 = tpu.memref_slice %arg4[%add3A_26, %dma_start3A_47] : memref<819200x32xf32, #tpu.memory_space<hbm>> -> memref<1600x32xf32, #tpu.memory_space<hbm>>
        tpu.enqueue_dma source(%arg7 : memref<1600x32xf32, #tpu.memory_space<vmem>>) target(%dma_start3A_48 : memref<1600x32xf32, #tpu.memory_space<hbm>>) target_semaphore(%run_scoped3A : memref<!tpu.dma_semaphore, #tpu.memory_space<semaphore_mem>>)
        %dma_wait3A_49 = arith.constant 0 : i32
        %dma_wait3A_50 = tpu.memref_slice %arg4[%add3A_26, %dma_wait3A_49] : memref<819200x32xf32, #tpu.memory_space<hbm>> -> memref<1600x32xf32, #tpu.memory_space<hbm>>
        %dma_wait3A_51 = arith.constant 0 : i32
        %dma_wait3A_52 = tpu.memref_slice %arg4[%add3A_26, %dma_wait3A_51] : memref<819200x32xf32, #tpu.memory_space<hbm>> -> memref<1600x32xf32, #tpu.memory_space<hbm>>
        tpu.wait_dma2 semaphore(%run_scoped3A : memref<!tpu.dma_semaphore, #tpu.memory_space<semaphore_mem>>) src(%arg7 : memref<1600x32xf32, #tpu.memory_space<vmem>>) dst(%dma_wait3A_52 : memref<1600x32xf32, #tpu.memory_space<hbm>>)
        tpu.yield
      }) : () -> ()
      %lt3A = arith.constant 7 : i32
      %lt3A_27 = arith.cmpi slt, %scan3A_17, %lt3A : i32
      %convert_element_type3A = arith.extui %lt3A_27 : i1 to i32
      %cond3A = arith.constant 0 : i32
      %cond3A_28 = arith.cmpi ne, %convert_element_type3A, %cond3A : i32
      scf.if %cond3A_28 {
        %add3A_45 = arith.constant 2 : i32
        %add3A_46 = arith.addi %mul3A_19, %add3A_45 : i32
        %mul3A_47 = arith.constant 1600 : i32
        %mul3A_48 = arith.muli %add3A_46, %mul3A_47 : i32
        %add3A_49 = arith.addi %mul3A_2, %mul3A_48 : i32
        "tpu.region"() ({
          %run_scoped3A = tpu.sem_alloc : memref<!tpu.dma_semaphore, #tpu.memory_space<semaphore_mem>>
          %dma_start3A_53 = tpu.memref_slice %arg3[%add3A_49] : memref<819200xi32, #tpu.memory_space<hbm>> -> memref<1600xi32, #tpu.memory_space<hbm>>
          %dma_start3A_54 = tpu.memref_slice %arg3[%add3A_49] : memref<819200xi32, #tpu.memory_space<hbm>> -> memref<1600xi32, #tpu.memory_space<hbm>>
          tpu.enqueue_dma source(%dma_start3A_54 : memref<1600xi32, #tpu.memory_space<hbm>>) target(%arg5 : memref<1600xi32, #tpu.memory_space<vmem>>) target_semaphore(%run_scoped3A : memref<!tpu.dma_semaphore, #tpu.memory_space<semaphore_mem>>)
          %dma_wait3A_55 = tpu.memref_slice %arg3[%add3A_49] : memref<819200xi32, #tpu.memory_space<hbm>> -> memref<1600xi32, #tpu.memory_space<hbm>>
          %dma_wait3A_56 = tpu.memref_slice %arg3[%add3A_49] : memref<819200xi32, #tpu.memory_space<hbm>> -> memref<1600xi32, #tpu.memory_space<hbm>>
          tpu.wait_dma2 semaphore(%run_scoped3A : memref<!tpu.dma_semaphore, #tpu.memory_space<semaphore_mem>>) src(%dma_wait3A_56 : memref<1600xi32, #tpu.memory_space<hbm>>) dst(%arg5 : memref<1600xi32, #tpu.memory_space<vmem>>)
          tpu.yield
        }) : () -> ()
        %dma_start3A_50 = arith.constant 0 : i32
        %dma_start3A_51 = arith.constant 0 : i32
        %dma_start3A_52 = tpu.memref_slice %arg2[%dma_start3A_50, %dma_start3A_51] : memref<1000000x32xf32, #tpu.memory_space<hbm>> -> memref<1000000x32xf32, #tpu.memory_space<hbm>>
        tpu.enqueue_indirect_dma source(%dma_start3A_52 : memref<1000000x32xf32, #tpu.memory_space<hbm>>) target(%arg7 : memref<1600x32xf32, #tpu.memory_space<vmem>>) offsets(%arg5 : memref<1600xi32, #tpu.memory_space<vmem>>) semaphore(%arg9 : memref<!tpu.dma_semaphore, #tpu.memory_space<semaphore_mem>>)
      } else {
      }
      %add3A_29 = arith.constant 1 : i32
      %add3A_30 = arith.addi %mul3A_19, %add3A_29 : i32
      %dma_wait3A_31 = arith.constant 0 : i32
      %dma_wait3A_32 = arith.constant 0 : i32
      %dma_wait3A_33 = tpu.memref_slice %arg2[%dma_wait3A_31, %dma_wait3A_32] : memref<1000000x32xf32, #tpu.memory_space<hbm>> -> memref<1000000x32xf32, #tpu.memory_space<hbm>>
      tpu.wait_indirect_dma semaphore(%arg10 : memref<!tpu.dma_semaphore, #tpu.memory_space<semaphore_mem>>) src(%dma_wait3A_33 : memref<1000000x32xf32, #tpu.memory_space<hbm>>) dst(%arg8 : memref<1600x32xf32, #tpu.memory_space<vmem>>)
      %parallel_loop3A_34 = arith.constant 0 : i32
      %parallel_loop3A_35 = arith.constant 1600 : i32
      %parallel_loop3A_36 = arith.constant 1 : i32
      scf.for %parallel_loop3A_45 = %parallel_loop3A_34 to %parallel_loop3A_35 step %parallel_loop3A_36  : i32 {
        %parallel_loop3A_46 = arith.index_cast %parallel_loop3A_45 : i32 to index
        %parallel_loop3A_47 = arith.constant 0 : index
        %parallel_loop3A_48 = tpu.vector_load %arg8[%parallel_loop3A_46, %parallel_loop3A_47] {strides = array<i32>} : memref<1600x32xf32, #tpu.memory_space<vmem>>, vector<1x16xf32>,
        %parallel_loop3A_49 = vector.shape_cast %parallel_loop3A_48 : vector<1x16xf32> to vector<16xf32>
        %parallel_loop3A_50 = arith.index_cast %parallel_loop3A_45 : i32 to index
        %parallel_loop3A_51 = arith.constant 16 : index
        %parallel_loop3A_52 = tpu.vector_load %arg8[%parallel_loop3A_50, %parallel_loop3A_51] {strides = array<i32>} : memref<1600x32xf32, #tpu.memory_space<vmem>>, vector<1x16xf32>,
        %parallel_loop3A_53 = vector.shape_cast %parallel_loop3A_52 : vector<1x16xf32> to vector<16xf32>
        %parallel_loop3A_54 = math.absf %parallel_loop3A_49 : vector<16xf32>
        %parallel_loop3A_55 = math.absf %parallel_loop3A_53 : vector<16xf32>
        %parallel_loop3A_56 = arith.maximumf %parallel_loop3A_54, %parallel_loop3A_55 : vector<16xf32>
        %parallel_loop3A_57 = tpu.iota {dimensions = array<i32: 0>} : vector<16xi32>
        %parallel_loop3A_58 = arith.constant 8 : i32
        %parallel_loop3A_59 = vector.broadcast %parallel_loop3A_58 : i32 to vector<16xi32>
        %parallel_loop3A_60 = arith.xori %parallel_loop3A_57, %parallel_loop3A_59 : vector<16xi32>
        %parallel_loop3A_61 = vector.shape_cast %parallel_loop3A_60 : vector<16xi32> to vector<16x1xi32>
        %parallel_loop3A_62 = vector.shape_cast %parallel_loop3A_61 : vector<16x1xi32> to vector<16xi32>
        %parallel_loop3A_63 = tpu.dynamic_gather %parallel_loop3A_56[%parallel_loop3A_62] in [0] : vector<16xf32>, vector<16xi32> -> vector<16xf32>
        %parallel_loop3A_64 = arith.maximumf %parallel_loop3A_56, %parallel_loop3A_63 : vector<16xf32>
        %parallel_loop3A_65 = arith.constant 4 : i32
        %parallel_loop3A_66 = vector.broadcast %parallel_loop3A_65 : i32 to vector<16xi32>
        %parallel_loop3A_67 = arith.xori %parallel_loop3A_57, %parallel_loop3A_66 : vector<16xi32>
        %parallel_loop3A_68 = vector.shape_cast %parallel_loop3A_67 : vector<16xi32> to vector<16x1xi32>
        %parallel_loop3A_69 = vector.shape_cast %parallel_loop3A_68 : vector<16x1xi32> to vector<16xi32>
        %parallel_loop3A_70 = tpu.dynamic_gather %parallel_loop3A_64[%parallel_loop3A_69] in [0] : vector<16xf32>, vector<16xi32> -> vector<16xf32>
        %parallel_loop3A_71 = arith.maximumf %parallel_loop3A_64, %parallel_loop3A_70 : vector<16xf32>
        %parallel_loop3A_72 = arith.constant 2 : i32
        %parallel_loop3A_73 = vector.broadcast %parallel_loop3A_72 : i32 to vector<16xi32>
        %parallel_loop3A_74 = arith.xori %parallel_loop3A_57, %parallel_loop3A_73 : vector<16xi32>
        %parallel_loop3A_75 = vector.shape_cast %parallel_loop3A_74 : vector<16xi32> to vector<16x1xi32>
        %parallel_loop3A_76 = vector.shape_cast %parallel_loop3A_75 : vector<16x1xi32> to vector<16xi32>
        %parallel_loop3A_77 = tpu.dynamic_gather %parallel_loop3A_71[%parallel_loop3A_76] in [0] : vector<16xf32>, vector<16xi32> -> vector<16xf32>
        %parallel_loop3A_78 = arith.maximumf %parallel_loop3A_71, %parallel_loop3A_77 : vector<16xf32>
        %parallel_loop3A_79 = arith.constant 1 : i32
        %parallel_loop3A_80 = vector.broadcast %parallel_loop3A_79 : i32 to vector<16xi32>
        %parallel_loop3A_81 = arith.xori %parallel_loop3A_57, %parallel_loop3A_80 : vector<16xi32>
        %parallel_loop3A_82 = vector.shape_cast %parallel_loop3A_81 : vector<16xi32> to vector<16x1xi32>
        %parallel_loop3A_83 = vector.shape_cast %parallel_loop3A_82 : vector<16x1xi32> to vector<16xi32>
        %parallel_loop3A_84 = tpu.dynamic_gather %parallel_loop3A_78[%parallel_loop3A_83] in [0] : vector<16xf32>, vector<16xi32> -> vector<16xf32>
        %parallel_loop3A_85 = arith.maximumf %parallel_loop3A_78, %parallel_loop3A_84 : vector<16xf32>
        %parallel_loop3A_86 = arith.constant 3.100000e+01 : f32
        %parallel_loop3A_87 = vector.broadcast %parallel_loop3A_86 : f32 to vector<16xf32>
        %parallel_loop3A_88 = arith.divf %parallel_loop3A_85, %parallel_loop3A_87 : vector<16xf32>
        %parallel_loop3A_89 = arith.constant 0.000000e+00 : f32
        %parallel_loop3A_90 = vector.broadcast %parallel_loop3A_89 : f32 to vector<16xf32>
        %parallel_loop3A_91 = arith.cmpf oeq, %parallel_loop3A_88, %parallel_loop3A_90 : vector<16xf32>
        %parallel_loop3A_92 = arith.constant 1.000000e+00 : f32
        %parallel_loop3A_93 = vector.broadcast %parallel_loop3A_92 : f32 to vector<16xf32>
        %parallel_loop3A_94 = arith.select %parallel_loop3A_91, %parallel_loop3A_93, %parallel_loop3A_88 : vector<16xi1>, vector<16xf32>
        %parallel_loop3A_95 = arith.constant 1.000000e+00 : f32
        %parallel_loop3A_96 = vector.broadcast %parallel_loop3A_95 : f32 to vector<16xf32>
        %parallel_loop3A_97 = arith.divf %parallel_loop3A_96, %parallel_loop3A_94 : vector<16xf32>
        %parallel_loop3A_98 = arith.mulf %parallel_loop3A_49, %parallel_loop3A_97 : vector<16xf32>
        %parallel_loop3A_99 = arith.constant 0x4B400000 : f32
        %parallel_loop3A_100 = vector.broadcast %parallel_loop3A_99 : f32 to vector<16xf32>
        %parallel_loop3A_101 = arith.addf %parallel_loop3A_98, %parallel_loop3A_100 : vector<16xf32>
        %parallel_loop3A_102 = arith.constant 0x4B400000 : f32
        %parallel_loop3A_103 = vector.broadcast %parallel_loop3A_102 : f32 to vector<16xf32>
        %parallel_loop3A_104 = arith.subf %parallel_loop3A_101, %parallel_loop3A_103 : vector<16xf32>
        %parallel_loop3A_105 = arith.mulf %parallel_loop3A_104, %parallel_loop3A_94 : vector<16xf32>
        %parallel_loop3A_106 = arith.index_cast %parallel_loop3A_45 : i32 to index
        %parallel_loop3A_107 = arith.constant 0 : index
        %parallel_loop3A_108 = tpu.vector_load %arg8[%parallel_loop3A_106, %parallel_loop3A_107] {strides = array<i32>} : memref<1600x32xf32, #tpu.memory_space<vmem>>, vector<1x16xf32>,
        %parallel_loop3A_109 = vector.shape_cast %parallel_loop3A_108 : vector<1x16xf32> to vector<16xf32>
        %parallel_loop3A_110 = vector.shape_cast %parallel_loop3A_105 : vector<16xf32> to vector<1x16xf32>
        tpu.vector_store %arg8[%parallel_loop3A_106, %parallel_loop3A_107], %parallel_loop3A_110 {strides = array<i32>} : memref<1600x32xf32, #tpu.memory_space<vmem>>, vector<1x16xf32>,
        %parallel_loop3A_111 = arith.mulf %parallel_loop3A_53, %parallel_loop3A_97 : vector<16xf32>
        %parallel_loop3A_112 = arith.constant 0x4B400000 : f32
        %parallel_loop3A_113 = vector.broadcast %parallel_loop3A_112 : f32 to vector<16xf32>
        %parallel_loop3A_114 = arith.addf %parallel_loop3A_111, %parallel_loop3A_113 : vector<16xf32>
        %parallel_loop3A_115 = arith.constant 0x4B400000 : f32
        %parallel_loop3A_116 = vector.broadcast %parallel_loop3A_115 : f32 to vector<16xf32>
        %parallel_loop3A_117 = arith.subf %parallel_loop3A_114, %parallel_loop3A_116 : vector<16xf32>
        %parallel_loop3A_118 = arith.mulf %parallel_loop3A_117, %parallel_loop3A_94 : vector<16xf32>
        %parallel_loop3A_119 = arith.index_cast %parallel_loop3A_45 : i32 to index
        %parallel_loop3A_120 = arith.constant 16 : index
        %parallel_loop3A_121 = tpu.vector_load %arg8[%parallel_loop3A_119, %parallel_loop3A_120] {strides = array<i32>} : memref<1600x32xf32, #tpu.memory_space<vmem>>, vector<1x16xf32>,
        %parallel_loop3A_122 = vector.shape_cast %parallel_loop3A_121 : vector<1x16xf32> to vector<16xf32>
        %parallel_loop3A_123 = vector.shape_cast %parallel_loop3A_118 : vector<16xf32> to vector<1x16xf32>
        tpu.vector_store %arg8[%parallel_loop3A_119, %parallel_loop3A_120], %parallel_loop3A_123 {strides = array<i32>} : memref<1600x32xf32, #tpu.memory_space<vmem>>, vector<1x16xf32>,
      } {sc.loop_unroll_factor = 4 : i64, sc.parallel_access}
      %mul3A_37 = arith.constant 1600 : i32
      %mul3A_38 = arith.muli %add3A_30, %mul3A_37 : i32
      %add3A_39 = arith.addi %mul3A_2, %mul3A_38 : i32
      "tpu.region"() ({
        %run_scoped3A = tpu.sem_alloc : memref<!tpu.dma_semaphore, #tpu.memory_space<semaphore_mem>>
        %dma_start3A_45 = arith.constant 0 : i32
        %dma_start3A_46 = tpu.memref_slice %arg4[%add3A_39, %dma_start3A_45] : memref<819200x32xf32, #tpu.memory_space<hbm>> -> memref<1600x32xf32, #tpu.memory_space<hbm>>
        %dma_start3A_47 = arith.constant 0 : i32
        %dma_start3A_48 = tpu.memref_slice %arg4[%add3A_39, %dma_start3A_47] : memref<819200x32xf32, #tpu.memory_space<hbm>> -> memref<1600x32xf32, #tpu.memory_space<hbm>>
        tpu.enqueue_dma source(%arg8 : memref<1600x32xf32, #tpu.memory_space<vmem>>) target(%dma_start3A_48 : memref<1600x32xf32, #tpu.memory_space<hbm>>) target_semaphore(%run_scoped3A : memref<!tpu.dma_semaphore, #tpu.memory_space<semaphore_mem>>)
        %dma_wait3A_49 = arith.constant 0 : i32
        %dma_wait3A_50 = tpu.memref_slice %arg4[%add3A_39, %dma_wait3A_49] : memref<819200x32xf32, #tpu.memory_space<hbm>> -> memref<1600x32xf32, #tpu.memory_space<hbm>>
        %dma_wait3A_51 = arith.constant 0 : i32
        %dma_wait3A_52 = tpu.memref_slice %arg4[%add3A_39, %dma_wait3A_51] : memref<819200x32xf32, #tpu.memory_space<hbm>> -> memref<1600x32xf32, #tpu.memory_space<hbm>>
        tpu.wait_dma2 semaphore(%run_scoped3A : memref<!tpu.dma_semaphore, #tpu.memory_space<semaphore_mem>>) src(%arg8 : memref<1600x32xf32, #tpu.memory_space<vmem>>) dst(%dma_wait3A_52 : memref<1600x32xf32, #tpu.memory_space<hbm>>)
        tpu.yield
      }) : () -> ()
      %lt3A_40 = arith.constant 7 : i32
      %lt3A_41 = arith.cmpi slt, %scan3A_17, %lt3A_40 : i32
      %convert_element_type3A_42 = arith.extui %lt3A_41 : i1 to i32
      %cond3A_43 = arith.constant 0 : i32
      %cond3A_44 = arith.cmpi ne, %convert_element_type3A_42, %cond3A_43 : i32
      scf.if %cond3A_44 {
        %add3A_45 = arith.constant 3 : i32
        %add3A_46 = arith.addi %mul3A_19, %add3A_45 : i32
        %mul3A_47 = arith.constant 1600 : i32
        %mul3A_48 = arith.muli %add3A_46, %mul3A_47 : i32
        %add3A_49 = arith.addi %mul3A_2, %mul3A_48 : i32
        "tpu.region"() ({
          %run_scoped3A = tpu.sem_alloc : memref<!tpu.dma_semaphore, #tpu.memory_space<semaphore_mem>>
          %dma_start3A_53 = tpu.memref_slice %arg3[%add3A_49] : memref<819200xi32, #tpu.memory_space<hbm>> -> memref<1600xi32, #tpu.memory_space<hbm>>
          %dma_start3A_54 = tpu.memref_slice %arg3[%add3A_49] : memref<819200xi32, #tpu.memory_space<hbm>> -> memref<1600xi32, #tpu.memory_space<hbm>>
          tpu.enqueue_dma source(%dma_start3A_54 : memref<1600xi32, #tpu.memory_space<hbm>>) target(%arg6 : memref<1600xi32, #tpu.memory_space<vmem>>) target_semaphore(%run_scoped3A : memref<!tpu.dma_semaphore, #tpu.memory_space<semaphore_mem>>)
          %dma_wait3A_55 = tpu.memref_slice %arg3[%add3A_49] : memref<819200xi32, #tpu.memory_space<hbm>> -> memref<1600xi32, #tpu.memory_space<hbm>>
          %dma_wait3A_56 = tpu.memref_slice %arg3[%add3A_49] : memref<819200xi32, #tpu.memory_space<hbm>> -> memref<1600xi32, #tpu.memory_space<hbm>>
          tpu.wait_dma2 semaphore(%run_scoped3A : memref<!tpu.dma_semaphore, #tpu.memory_space<semaphore_mem>>) src(%dma_wait3A_56 : memref<1600xi32, #tpu.memory_space<hbm>>) dst(%arg6 : memref<1600xi32, #tpu.memory_space<vmem>>)
          tpu.yield
        }) : () -> ()
        %dma_start3A_50 = arith.constant 0 : i32
        %dma_start3A_51 = arith.constant 0 : i32
        %dma_start3A_52 = tpu.memref_slice %arg2[%dma_start3A_50, %dma_start3A_51] : memref<1000000x32xf32, #tpu.memory_space<hbm>> -> memref<1000000x32xf32, #tpu.memory_space<hbm>>
        tpu.enqueue_indirect_dma source(%dma_start3A_52 : memref<1000000x32xf32, #tpu.memory_space<hbm>>) target(%arg8 : memref<1600x32xf32, #tpu.memory_space<vmem>>) offsets(%arg6 : memref<1600xi32, #tpu.memory_space<vmem>>) semaphore(%arg10 : memref<!tpu.dma_semaphore, #tpu.memory_space<semaphore_mem>>)
      } else {
      }
    }
    %scan3A_16 = arith.constant 8 : i32
    return
  }
}

</mosaic_0001>

<sc_bundles>
// kernel: kernel.3.cloned.1.call-start
scs
__scs_entry_jumppad:
0x0: {  	(pc) =	sbr.rel $0x88, $3  }
0x1: {  	(tag) =	ssettag $0x0;
	lr =	simm.s32 $0x1  }
0x2: {  	[smem:$0x3F9F] =	sst lr;
	_ =	strace $0xD0000000  }
0x3: {  	_ = 	snop  }
0x4: {  	_ = 	snop  }
0x5: {  	_ = 	snop  }
0x6: {  	_ = 	snop  }
0x7: {  	_ = 	snop  }
__scs_overlays_trampoline_lowered:
0x8: {  	[smem:$0x3FAE] =	sst s0  }
0x9: {  	[smem:$0x3FAF] =	sst s1  }
0xa: {  	[smem:$0x3FB0] =	sst s2  }
0xb: {  	[smem:$0x3FB1] =	sst s3  }
0xc: {  	[smem:$0x3FB2] =	sst s4  }
0xd: {  	[smem:$0x3FB3] =	sst s5  }
0xe: {  	[smem:$0x3FB4] =	sst s6  }
0xf: {  	[smem:$0x3FB5] =	sst s7  }
0x10: {  	[smem:$0x3FB6] =	sst s8  }
0x11: {  	[smem:$0x3FB7] =	sst s9;
	s0 =	simm.s32 @!p0 $0x0  }
0x12: {  	s1 =	sld [smem:$0x3F9D];
	s0 =	simm.s32 @p0 $0x1  }
0x13: {  	[smem:$0x3FB8] =	sst s0;
	s0 =	simm.s32 @!p1 $0x0  }
0x14: {  	s2 =	sld [smem:$0x3F9C];
	s0 =	simm.s32 @p1 $0x1  }
0x15: {  	[smem:$0x3FB9] =	sst s0;
	s0 =	simm.s32 @!p2 $0x0  }
0x16: {  	s3 =	sld [smem:$0x3FDB];
	s0 =	simm.s32 @p2 $0x1  }
0x17: {  	s4 =	simm.s32 $0x1BF5;
	[smem:$0x3FBB] =	sst s0  }
0x18: {  	s0 =	sld [smem:$0x3F9E];
	_ =	swait.ge [sflag:s4], $0x0  }
0x19: {  	s7 =	sld [smem:$0x3F9F]  }
0x1a: {  	s8 =	sadd.s32 $0xFFFFE003, lr  }
0x1b: {  	s9 =	sadd.s32 $0xFFFFFEF7, lr;
	s5 =	simm.s32 $0xFFFFFFFF;
	p2 =	slt.u32 s8, $0xFFFFF086  }
0x1c: {  	p1 =	slt.u32 s9, $0xF7A;
	s5 =	simm.s32 @!p2 $0x0  }
0x1d: {  	s5 =	simm.s32 @p1 $0x1;
	p0 =	seq.s32 s7, s2  }
0x1e: {  	s7 =	smul.u32 @!p0 $0xF7A, s2;
	p2 =	seq.s32 @!p0 s5, $0x0  }
0x1f: {  	s9 =	smul.u32 $0xF7A, s1;
	s8 =	simm.s32 @!p0 $0x1BF5;
	p2 =	por !p2, p0  }
0x20: {  	[sflag:s8] =	ssyncset.s32 @!p0 $0xFFFFF086;
	s6 =	sadd.s32 @!p0 s3, s7;
	s7 =	simm.s32 @!p0 $0x108  }
0x21: {  	s3 =	sadd.s32 s3, s9;
	s6 =	sadd.s32 @!p0 $0x88, s6;
	s7 =	simm.s32 @p2 $0x1082  }
0x22: {  	[simem:s7], [sflag:s8] =	dma.local @!p0 [hbm:s6], $0xF7A  }
0x23: {  	s9 =	sor.u32 $0xD0000000, s2;
	s6 =	simm.s32 $0x108;
	_ =	swait.ge @!p0 [sflag:s8], $0x0  }
0x24: {  	s3 =	sadd.s32 $0x88, s3;
	s6 =	simm.s32 @!p1 $0x1082;
	[sflag:s4] =	ssyncset.s32 $0xFFFFF086  }
0x25: {  	[simem:s6], [sflag:s4] =	dma.local [hbm:s3], $0xF7A  }
0x26: {  	[smem:$0x3F9F] =	sst s1;
	(tag) =	ssettag s2;
	_ =	strace s9  }
0x27: {  	s1 =	sld [smem:$0x3FAF]  }
0x28: {  	s2 =	sld [smem:$0x3FB0]  }
0x29: {  	s4 =	sld [smem:$0x3FB2]  }
0x2a: {  	p0 =	seq.s32 s5, $0x0;
	s5 =	sld [smem:$0x3FB3]  }
0x2b: {  	s6 =	sld [smem:$0x3FB4]  }
0x2c: {  	s7 =	sld [smem:$0x3FB5]  }
0x2d: {  	s3 =	simm.s32 $0x108;
	s8 =	sld [smem:$0x3FB6]  }
0x2e: {  	s3 =	simm.s32 @!p0 $0x1082;
	s9 =	sld [smem:$0x3FB7]  }
0x2f: {  	lr =	sadd.s32 s0, s3;
	s0 =	sld [smem:$0x3FAE]  }
0x30: {  	s3 =	sld [smem:$0x3FB1]  }
0x31: {  	[smem:$0x3FBA] =	sst s10  }
0x32: {  	s10 =	sld [smem:$0x3FB8];
	_ =	sdelay $0x3  }
0x33: {  	p0 =	seq.s32 s10, $0x1;
	s10 =	sld [smem:$0x3FBA];
	_ =	sdelay $0x3  }
0x34: {  	[smem:$0x3FBA] =	sst s10  }
0x35: {  	s10 =	sld [smem:$0x3FB9];
	_ =	sdelay $0x3  }
0x36: {  	p1 =	seq.s32 s10, $0x1;
	s10 =	sld [smem:$0x3FBA];
	_ =	sdelay $0x3  }
0x37: {  	[smem:$0x3FBA] =	sst s10  }
0x38: {  	s10 =	sld [smem:$0x3FBB]  }
0x39: {  	_ = 	snop;
	(pc) =	sbr.ind lr, $3  }
0x3a: {  	_ = 	snop  }
0x3b: {  	_ = 	snop  }
0x3c: {  	p2 =	seq.s32 s10, $0x1;
	s10 =	sld [smem:$0x3FBA]  }
0x3d: {  	_ =	shalt  }
0x3e: {  	_ =	shalt  }
0x3f: {  	_ =	shalt  }
0x40: {  	_ =	shalt  }
0x41: {  	_ =	shalt  }
0x42: {  	_ =	shalt  }
0x43: {  	_ =	shalt  }
0x44: {  	_ =	shalt  }
0x45: {  	_ =	shalt  }
0x46: {  	_ =	shalt  }
0x47: {  	_ =	shalt  }
0x48: {  	_ =	shalt  }
0x49: {  	_ =	shalt  }
0x4a: {  	_ =	shalt  }
0x4b: {  	_ =	shalt  }
0x4c: {  	_ =	shalt  }
0x4d: {  	_ =	shalt  }
0x4e: {  	_ =	shalt  }
0x4f: {  	_ =	shalt  }
0x50: {  	_ =	shalt  }
0x51: {  	_ =	shalt  }
0x52: {  	_ =	shalt  }
0x53: {  	_ =	shalt  }
0x54: {  	_ =	shalt  }
0x55: {  	_ =	shalt  }
0x56: {  	_ =	shalt  }
0x57: {  	_ =	shalt  }
0x58: {  	_ =	shalt  }
0x59: {  	_ =	shalt  }
0x5a: {  	_ =	shalt  }
0x5b: {  	_ =	shalt  }
0x5c: {  	_ =	shalt  }
0x5d: {  	_ =	shalt  }
0x5e: {  	_ =	shalt  }
0x5f: {  	_ =	shalt  }
0x60: {  	_ =	shalt  }
0x61: {  	_ =	shalt  }
0x62: {  	_ =	shalt  }
0x63: {  	_ =	shalt  }
0x64: {  	_ =	shalt  }
0x65: {  	_ =	shalt  }
0x66: {  	_ =	shalt  }
0x67: {  	_ =	shalt  }
0x68: {  	_ =	shalt  }
0x69: {  	_ =	shalt  }
0x6a: {  	_ =	shalt  }
0x6b: {  	_ =	shalt  }
0x6c: {  	_ =	shalt  }
0x6d: {  	_ =	shalt  }
0x6e: {  	_ =	shalt  }
0x6f: {  	_ =	shalt  }
0x70: {  	_ =	shalt  }
0x71: {  	_ =	shalt  }
0x72: {  	_ =	shalt  }
0x73: {  	_ =	shalt  }
0x74: {  	_ =	shalt  }
0x75: {  	_ =	shalt  }
0x76: {  	_ =	shalt  }
0x77: {  	_ =	shalt  }
0x78: {  	_ =	shalt  }
0x79: {  	_ =	shalt  }
0x7a: {  	_ =	shalt  }
0x7b: {  	_ =	shalt  }
0x7c: {  	_ =	shalt  }
0x7d: {  	_ =	shalt  }
0x7e: {  	_ =	shalt  }
0x7f: {  	_ =	shalt  }
0x80: {  	_ =	shalt  }
0x81: {  	_ =	shalt  }
0x82: {  	_ =	shalt  }
0x83: {  	_ =	shalt  }
0x84: {  	_ =	shalt  }
0x85: {  	_ =	shalt  }
0x86: {  	_ =	shalt  }
0x87: {  	_ =	shalt  }
.Lfunc_end0:
.L_simem_size_0:
called_computation.2_lowered:
.L_overlay_start_0:
0x88: {  	s2 =	sld [smem:$0x3FD9]  }
0x89: {  	s3 =	sld [smem:$0x3FFE];
	_ =	sdelay $0x1  }
0x8a: {  	s1 =	srdreg.scid  }
0x8b: {  	s0 =	sand.u32 $0x1, s1  }
0x8c: {  	s17 =	sshll.u32 s0, $0xA;
	s2 =	sadd.s32 s3, s2  }
0x8d: {  	s2 =	sadd.s32 s2, s17  }
0x8e: {  	[smem:$0x3FC6] =	sst s2  }
0x8f: {  	_ = 	snop  }
0x90: {  	s2 =	sld [smem:$0x3FD0];
	(tm) =	ssettm $0x1  }
0x91: {  	s18 =	sld [smem:$0x3FFB];
	_ =	sdelay $0x3  }
0x92: {  	_ =	strace s18  }
0x93: {  	s3 =	sld [smem:$0x3FFC];
	_ =	sdelay $0x3  }
0x94: {  	_ =	strace s3  }
0x95: {  	s3 =	sld [smem:$0x3FFD];
	_ =	sdelay $0x3  }
0x96: {  	_ =	strace s3  }
0x97: {  	_ =	strace $0x8FFFFFFF  }
0x98: {  	s19 =	sld [smem:$0x3FDB];
	_ =	sdelay $0x1  }
0x99: {  	s4 =	simm.s32 $_scs_section_size  }
0x9a: {  	s5 =	simm.s32 $_size__tile_overlayer_lowered;
	s6 =	simm.s32 $_tile_overlayer_lowered  }
0x9b: {  	s22 =	simm.s32 $0x1BFF;
	s21 =	sshll.u32 s6, $0x1;
	s3 =	sadd.s32 s4, s19  }
0x9c: {  	s7 =	simm.s32 $0x0;
	s20 =	sshll.u32 s5, $0x1;
	s5 =	sadd.s32 s21, s3  }
0x9d: {  	[timem:s7], [sflag:s22] =	dma.local [hbm:s5], s20  }
0x9e: {  	_ =	swait.ge [sflag:s22], s20  }
0x9f: {  	s4 =	ssub.s32 $0x0, s20;
	[sflag:s22] =	ssyncset.done $0x0  }
0xa0: {  	[sflag:s22] =	ssyncadd.s32 s4;
	_ =	sdelay $0x1  }
0xa1: {  	s23 =	simm.s32 $0x1B8B  }
0xa2: {  	_ =	swait.ge [sflag:s23], $0x1  }
0xa3: {  	[sflag:s23] =	ssyncset.done $0x0  }
0xa4: {  	s25 =	simm.s32 $0x1B8E;
	s24 =	sld [smem:$0x3FFE];
	[sflag:s23] =	ssyncadd.s32 $0xFFFFFFFF  }
0xa5: {  	s26 =	simm.s32 $execute0_lowered;
	[smem:$0x3FD2] =	sst s25  }
0xa6: {  	s5 =	sshll.u32 s26, $0x1;
	_ =	strace $0x80000046;
	[dreg:$0x1] =	wrdreg $0xFFFFFFFF  }
0xa7: {  	s28 =	simm.s32 $_size_execute0_lowered;
	s3 =	sadd.s32 s3, s5;
	[dreg:$0x0] =	wrdreg $0x0  }
0xa8: {  	s5 =	sshll.u32 s28, $0x1;
	[dreg:$0x2] =	wrdreg s3  }
0xa9: {  	[dreg:$0x3] =	wrdreg s5  }
0xaa: {  	[dreg:$0x4] =	wrdreg $0xC0  }
0xab: {  	_ =	task [dreg:s7], $0x5FFFF  }
0xac: {  	[dreg:$0x1] =	wrdreg $0xFFFFFFFF  }
0xad: {  	[dreg:$0x0] =	wrdreg $0x60  }
0xae: {  	[dreg:$0x2] =	wrdreg s24  }
0xaf: {  	[dreg:$0x3] =	wrdreg s2  }
0xb0: {  	[dreg:$0x4] =	wrdreg $0x9  }
0xb1: {  	_ =	task.clear_ibuf [dreg:s7], $0x5FFFF;
	_ =	strace $0x90000046  }
0xb2: {  	s29 =	simm.s32 $0x9;
	_ =	strace $0x80000048  }
0xb3: {  	_ =	swait.ge [sflag:s29], $0x1  }
0xb4: {  	[sflag:s29] =	ssyncadd.s32 $0xFFFFFFFF  }
0xb5: {  	_ =	strace $0x90000048  }
0xb6: {  	_ =	sfence  }
0xb7: {  	s30 =	sld [smem:$0x0];
	_ =	sdelay $0x2  }
0xb8: {  	s31 =	sshll.u32 s1, $0xD;
	s1 =	sshrl.u32 s1, $0x2  }
0xb9: {  	s3 =	sand.u32 $0x4000, s31;
	s1 =	sadd.s32 s1, s30  }
0xba: {  	s0 =	sor.u32 s3, s0;
	s1 =	sshll.u32 s1, $0x11  }
0xbb: {  	s0 =	sor.u32 s1, s0  }
0xbc: {  	s0 =	sadd.s32 $0x8F2B, s0  }
0xbd: {  	[sflag:s0] =	ssyncadd.remote.s32 $0x1  }
0xbe: {  	_ =	sfence.sel $0xFFFF  }
0xbf: {  	[dreg:$0x0] =	wrdreg $0xFFFFFFFF;
	(pc) =	sbr.abs _section_cstart, $3  }
0xc0: {  	[dreg:$0x1] =	wrdreg $0xFFFFFFFF  }
0xc1: {  	_ =	task.clear_ibuf [dreg:s7], $0x2FFFF;
	_ =	strace $0x9FFFFFFF  }
0xc2: {  	(tm) =	ssettm $0x7FFFFFFF  }
0xc3: {  	_ =	shalt  }
tec
execute0_lowered:
.L_overlay_start_1:
0x0: {  	(tag) =	ssettag $0x1  }
0x1: {  	s6 =	rddreg [dreg:$0x0]  }
0x2: {  	s1 =	rddreg [dreg:$0x1];
	s2 =	simm.s32 $0x0;
	v0 =	vimm.s32 $0xFEDCBA98;
	v2 =	vimm.s32 $0x76543210;
	v3 =	vimm.s32 $0x32107654  }
0x3: {  	v1 =	vimm.f32 $3.100000000e+01;
	v4 =	vimm.s32 $0xDCFE98BA;
	v5 =	vimm.s32 $0x54761032;
	[smem:$0x7FF] =	sst s2  }
0x4: {  	s0 =	rddreg [dreg:$0x2];
	v6 =	vimm.s32 $0xEFCDAB89;
	v7 =	vimm.s32 $0x67452301;
	_ =	strace $0x80000047  }
0x5: {  	v0 =	vunpack.c.l.s4.s8 v0;
	v3 =	vunpack.c.l.s4.s8 v3;
	(erf) = vrcp.f32 v1  }
0x6: {  	s4 =	srdreg.scid;
	s3 =	stileid.u32;
	s13 =	simm.s32 $0x3;
	v4 =	vunpack.c.l.s4.s8 v4;
	v1 =	vunpack.c.l.s4.s8 v2;
	v2 =	vimm.s32 $0xBA98FEDC  }
0x7: {  	s14 =	simm.s32 $0x640;
	s7 =	sand.u32 $0x1, s4;
	s29 =	sshll.u32 s3, $0x1;
	v5 =	vunpack.c.l.s4.s8 v5;
	v6 =	vunpack.c.l.s4.s8 v6;
	v2 =	vunpack.c.l.s4.s8 v2  }
0x8: {  	s15 =	simm.s32 $0xC80;
	s16 =	simm.s32 $0xD480;
	v7 =	vunpack.c.l.s4.s8 v7;
	s4 =	sor.u32 s7, s29;
	v0 =	vunpack.c.0.s8.s32 v0;
	v3 =	vunpack.c.0.s8.s32 v3  }
0x9: {  	s17 =	simm.s32 $0x1;
	s18 =	simm.s32 $0x2;
	s4 =	smul.u32 $0x6400, s4;
	v4 =	vunpack.c.0.s8.s32 v4;
	v5 =	vunpack.c.0.s8.s32 v5;
	v2 =	vunpack.c.0.s8.s32 v2  }
.Ltmp0:
0xa: {  	s19 =	simm.s32 $0x0;
	s8 =	ssub.s32 $0x2, s7;
	v6 =	vunpack.c.0.s8.s32 v6;
	v7 =	vunpack.c.0.s8.s32 v7;
	v1 =	vunpack.c.0.s8.s32 v1;
	(pc) =	sbr.rel .LBB2_1-.Ltmp0, $4  }
0xb: {  	s5 =	sadd.s32 $0xF43200, s6;
	s6 =	sadd.s32 $0xE00, s6;
	s9 =	sshrl.u32 s8, $0x1;
	v2 =	vcombine.low v3, v2  }
0xc: {  	s12 =	ssub.s32 s8, s9;
	s7 =	sadd.s32 $0x640, s4;
	s30 =	sshrl.u32 s4, $0x3;
	v0 =	vand.u32 $0xF, v0;
	v3 =	vcombine.low v5, v4;
	v4 =	vcombine.low v7, v6  }
0xd: {  	s10 =	sadd.s32 $0xC80, s4;
	s11 =	sadd.s32 $0x12C0, s4;
	s31 =	sshrl.u32 s7, $0x3;
	v0 =	vcombine.low v0, v1  }
0xe: {  	s12 =	smax.u32 s12, $0x1;
	s8 =	sadd.s32 s6, s30;
	s9 =	sadd.s32 s6, s31;
	v2 =	vand.u32 $0xF, v2;
	v3 =	vand.u32 $0xF, v3;
	v4 =	vand.u32 $0xF, v4;
	v1 =	vpop (erf)  }
.LBB2_8:
0xf: {  	s19 =	sadd.s32 $0x1, s19  }
0x10: {  	p0 =	sne.s32 s19, s12  }
.Ltmp1:
0x11: {  	_ = 	snop;
	(pc) =	sbr.rel @!p0 .LBB2_9-.Ltmp1, $1  }
0x12: {  	_ =	sdelay $0x3  }
.LBB2_1:
0x13: {  	[tilespmem:s2], [sflag:$0x3] =	stream.linear.gather [hbm4b:s8+s2], $0x640, $0x38;
	[tilespmem:$0x19C80] =	vst v63  }
0x14: {  	_ =	swait.ge [sflag:s13], $0x640  }
0x15: {  	[sflag:s13] =	ssyncset.done $0x0  }
0x16: {  	[sflag:s13] =	ssyncadd.s32 $0xFFFFF9C0  }
0x17: {  	[tilespmem:s15], [sflag:$0x1] =	stream.indirect.gather [hbm4b:s5+s14], $0x20, s2, s14, $0xb8;
	[tilespmem:$0x19C80] =	vst v63  }
0x18: {  	_ = 	snop  }
0x19: {  	[tilespmem:s14], [sflag:$0x3] =	stream.linear.gather [hbm4b:s9+s2], $0x640, $0x38;
	[tilespmem:$0x19C80] =	vst v63  }
0x1a: {  	_ =	swait.ge [sflag:s13], $0x640  }
0x1b: {  	[sflag:s13] =	ssyncset.done $0x0  }
0x1c: {  	s20 =	simm.s32 $0x0;
	[sflag:s13] =	ssyncadd.s32 $0xFFFFF9C0  }
0x1d: {  	[tilespmem:s16], [sflag:$0x2] =	stream.indirect.gather [hbm4b:s5+s14], $0x20, s14, s14, $0xb8;
	[tilespmem:$0x19C80] =	vst v63  }
.LBB2_2:
0x1e: {  	_ =	swait.ge [sflag:s17], $0xC800  }
0x1f: {  	[sflag:s17] =	ssyncset.done $0x0  }
0x20: {  	s21 =	simm.s32 $0xCC0;
	[sflag:s17] =	ssyncadd.s32 $0xFFFF3800  }
0x21: {  	v10 =	vld [tilespmem:s21+$0x20]  }
0x22: {  	v12 =	vld [tilespmem:s21+$0x30]  }
0x23: {  	v17 =	vld [tilespmem:s21+$0xFFFFFFD0]  }
0x24: {  	v18 =	vld [tilespmem:s21+$0xFFFFFFE0]  }
0x25: {  	v15 =	vld [tilespmem:s21+$0xFFFFFFF0]  }
0x26: {  	v14 =	vld [tilespmem:s21+$0x0]  }
0x27: {  	v13 =	vld [tilespmem:s21+$0x10]  }
0x28: {  	v16 =	vld [tilespmem:s21+$0xFFFFFFC0];
	_ =	sdelay $0x1  }
0x29: {  	v5 =	vand.u32 $0x7FFFFFFF, v10;
	v6 =	vand.u32 $0x7FFFFFFF, v12  }
0x2a: {  	v8 =	vand.u32 $0x7FFFFFFF, v15;
	v9 =	vand.u32 $0x7FFFFFFF, v17;
	v5 =	vmax.f32 v5, v6  }
0x2b: {  	v11 =	vand.u32 $0x7FFFFFFF, v13;
	v6 =	vand.u32 $0x7FFFFFFF, v18;
	v7 =	vperm.xlane v5, v0  }
0x2c: {  	s22 =	simm.s32 $0xD40;
	v20 =	vand.u32 $0x7FFFFFFF, v16;
	v6 =	vmax.f32 v6, v8;
	v8 =	vand.u32 $0x7FFFFFFF, v14  }
0x2d: {  	v21 =	vld [tilespmem:s22+$0xFFFFFFF0];
	v8 =	vmax.f32 v8, v11;
	v5 =	vmax.f32 v5, v7;
	v7 =	vperm.xlane v6, v0  }
0x2e: {  	v9 =	vmax.f32 v20, v9;
	v11 =	vperm.xlane v8, v0;
	v19 =	vperm.xlane v5, v2  }
0x2f: {  	v6 =	vmax.f32 v6, v7;
	v7 =	vperm.xlane v9, v0  }
0x30: {  	v23 =	vld [tilespmem:s22+$0xFFFFFFD0];
	v8 =	vmax.f32 v8, v11;
	v5 =	vmax.f32 v5, v19  }
0x31: {  	v19 =	vperm.xlane v6, v2;
	v7 =	vmax.f32 v9, v7;
	v9 =	vperm.xlane v8, v2  }
0x32: {  	v28 =	vand.u32 $0x7FFFFFFF, v21;
	v20 =	vperm.xlane v5, v3  }
0x33: {  	v27 =	vld [tilespmem:s22+$0xFFFFFFC0];
	v6 =	vmax.f32 v6, v19;
	v11 =	vperm.xlane v7, v2;
	v8 =	vmax.f32 v8, v9  }
0x34: {  	v5 =	vmax.f32 v5, v20;
	v19 =	vperm.xlane v6, v3;
	v9 =	vperm.xlane v8, v3  }
0x35: {  	v29 =	vand.u32 $0x7FFFFFFF, v23;
	v20 =	vperm.xlane v5, v4;
	v7 =	vmax.f32 v7, v11  }
0x36: {  	v24 =	vld [tilespmem:s22+$0x20];
	v6 =	vmax.f32 v6, v19;
	v11 =	vperm.xlane v7, v3;
	v8 =	vmax.f32 v8, v9  }
0x37: {  	v25 =	vld [tilespmem:s22+$0x30];
	v5 =	vmax.f32 v5, v20;
	v19 =	vperm.xlane v6, v4;
	v9 =	vperm.xlane v8, v4  }
0x38: {  	v31 =	vand.u32 $0x7FFFFFFF, v27;
	v5 =	vmul.f32 v5, v1;
	v7 =	vmax.f32 v7, v11  }
0x39: {  	v22 =	vld [tilespmem:s22+$0xFFFFFFE0];
	v6 =	vmax.f32 v6, v19;
	v11 =	vperm.xlane v7, v4;
	v8 =	vmax.f32 v8, v9  }
0x3a: {  	v29 =	vmax.f32 v31, v29;
	v20 =	vld [tilespmem:s22+$0x10];
	v6 =	vmul.f32 v6, v1;
	v8 =	vmul.f32 v8, v1  }
0x3b: {  	v19 =	vld [tilespmem:s22+$0x0];
	vm0 =	veq.f32 v5, $0.0e+00;
	v9 =	vand.u32 $0x7FFFFFFF, v24;
	v7 =	vmax.f32 v7, v11  }
0x3c: {  	v11 =	vand.u32 $0x7FFFFFFF, v25;
	vm6 =	veq.f32 v6, $0.0e+00;
	vm7 =	veq.f32 v8, $0.0e+00  }
0x3d: {  	v26 =	vsel vm6, $0x3F800000, v6;
	v6 =	vsel vm7, $0x3F800000, v8;
	v8 =	vmax.f32 v9, v11  }
0x3e: {  	v5 =	vsel vm0, $0x3F800000, v5;
	v9 =	vand.u32 $0x7FFFFFFF, v22;
	v11 =	vperm.xlane v8, v0  }
0x3f: {  	(erf) = vrcp.f32 v5;
	v7 =	vmul.f32 v7, v1;
	v9 =	vmax.f32 v9, v28  }
0x40: {  	v28 =	vand.u32 $0x7FFFFFFF, v19;
	v8 =	vmax.f32 v8, v11;
	v11 =	vand.u32 $0x7FFFFFFF, v20  }
0x41: {  	(erf) = vrcp.f32 v26;
	v30 =	vperm.xlane v9, v0;
	v11 =	vmax.f32 v28, v11  }
0x42: {  	vm1 =	veq.f32 v7, $0.0e+00;
	v28 =	vperm.xlane v8, v2;
	v31 =	vperm.xlane v11, v0  }
0x43: {  	v32 =	vsel vm1, $0x3F800000, v7;
	v7 =	vperm.xlane v29, v0;
	v9 =	vmax.f32 v9, v30  }
0x44: {  	v8 =	vmax.f32 v8, v28;
	v28 =	vperm.xlane v9, v2;
	v11 =	vmax.f32 v11, v31  }
0x45: {  	v7 =	vmax.f32 v29, v7;
	v30 =	vperm.xlane v8, v3;
	v29 =	vperm.xlane v11, v2  }
0x46: {  	(erf) = vrcp.f32 v6;
	v31 =	vperm.xlane v7, v2;
	v9 =	vmax.f32 v9, v28  }
0x47: {  	v8 =	vmax.f32 v8, v30;
	v28 =	vperm.xlane v9, v3;
	v11 =	vmax.f32 v11, v29  }
0x48: {  	v7 =	vmax.f32 v7, v31;
	v29 =	vperm.xlane v8, v4;
	v30 =	vperm.xlane v11, v3  }
0x49: {  	(erf) = vrcp.f32 v32;
	v31 =	vperm.xlane v7, v3;
	v9 =	vmax.f32 v9, v28  }
0x4a: {  	v8 =	vmax.f32 v8, v29;
	v28 =	vperm.xlane v9, v4;
	v11 =	vmax.f32 v11, v30  }
0x4b: {  	v29 =	vmax.f32 v7, v31;
	v8 =	vmul.f32 v8, v1;
	v7 =	vperm.xlane v11, v4  }
0x4c: {  	v30 =	vperm.xlane v29, v4;
	v9 =	vmax.f32 v9, v28  }
0x4d: {  	vm8 =	veq.f32 v8, $0.0e+00;
	v9 =	vmul.f32 v9, v1;
	v11 =	vmax.f32 v11, v7  }
0x4e: {  	v7 =	vsel vm8, $0x3F800000, v8;
	v8 =	vmax.f32 v29, v30;
	v11 =	vmul.f32 v11, v1  }
0x4f: {  	v28 =	vpop (erf);
	(erf) = vrcp.f32 v7;
	v29 =	vmul.f32 v8, v1  }
0x50: {  	vm9 =	veq.f32 v9, $0.0e+00;
	v30 =	vpop (erf);
	v63 =	vmul.f32 v28, v10;
	v28 =	vmul.f32 v28, v12  }
0x51: {  	s23 =	simm.s32 $0xDC0;
	v9 =	vsel vm9, $0x3F800000, v9;
	v34 =	vmul.f32 v30, v18;
	v30 =	vmul.f32 v30, v15  }
0x52: {  	v12 =	vld [tilespmem:s23+$0xFFFFFFF0];
	v31 =	vpop (erf);
	vm10 =	veq.f32 v11, $0.0e+00;
	vm11 =	veq.f32 v29, $0.0e+00;
	(erf) = vrcp.f32 v9  }
0x53: {  	v18 =	vld [tilespmem:s23+$0x30];
	v33 =	vpop (erf);
	v35 =	vmul.f32 v31, v14;
	v28 =	vadd.f32 $1.258291200e+07, v28;
	v8 =	vsel vm10, $0x3F800000, v11  }
0x54: {  	v15 =	vld [tilespmem:s23+$0xFFFFFFE0];
	v11 =	vsel vm11, $0x3F800000, v29;
	v29 =	vmul.f32 v33, v16;
	v17 =	vmul.f32 v33, v17  }
0x55: {  	v10 =	vld [tilespmem:s23+$0xFFFFFFD0];
	v34 =	vadd.f32 $1.258291200e+07, v34;
	v14 =	vadd.f32 $1.258291200e+07, v30;
	v30 =	vmul.f32 v31, v13  }
0x56: {  	v16 =	vld [tilespmem:s23+$0x20];
	v33 =	vadd.f32 $1.258291200e+07, v63;
	(erf) = vrcp.f32 v8;
	v29 =	vadd.f32 $1.258291200e+07, v29  }
0x57: {  	(erf) = vrcp.f32 v11;
	v17 =	vadd.f32 $1.258291200e+07, v17;
	v31 =	vadd.f32 $-1.258291200e+07, v34  }
0x58: {  	v13 =	vld [tilespmem:s23+$0x0];
	v36 =	vadd.f32 $-1.258291200e+07, v14;
	v42 =	vand.u32 $0x7FFFFFFF, v12;
	v37 =	vand.u32 $0x7FFFFFFF, v18  }
0x59: {  	v14 =	vld [tilespmem:s23+$0x10];
	v41 =	vand.u32 $0x7FFFFFFF, v15;
	v29 =	vadd.f32 $-1.258291200e+07, v29;
	v17 =	vadd.f32 $-1.258291200e+07, v17  }
0x5a: {  	v31 =	vmul.f32 v31, v26;
	v36 =	vmul.f32 v36, v26;
	v41 =	vmax.f32 v41, v42  }
0x5b: {  	v26 =	vand.u32 $0x7FFFFFFF, v10;
	v48 =	vand.u32 $0x7FFFFFFF, v16;
	v52 =	vperm.xlane v41, v0  }
0x5c: {  	v47 =	vpop (erf);
	v29 =	vmul.f32 v29, v32;
	v32 =	vmul.f32 v17, v32;
	v17 =	vld [tilespmem:s23+$0xFFFFFFC0];
	v34 =	vmax.f32 v48, v37  }
0x5d: {  	v43 =	vand.u32 $0x7FFFFFFF, v13;
	v24 =	vmul.f32 v47, v24;
	v39 =	vperm.xlane v34, v0  }
0x5e: {  	v25 =	vmul.f32 v47, v25;
	v50 =	vand.u32 $0x7FFFFFFF, v14;
	v41 =	vmax.f32 v41, v52  }
0x5f: {  	v38 =	vpop (erf);
	v57 =	vperm.xlane v41, v2;
	v34 =	vmax.f32 v34, v39;
	v39 =	vmax.f32 v43, v50  }
0x60: {  	v44 =	vmul.f32 v38, v22;
	v38 =	vmul.f32 v38, v21;
	v25 =	vadd.f32 $1.258291200e+07, v25  }
0x61: {  	v49 =	vpop (erf);
	v51 =	vperm.xlane v34, v2;
	v54 =	vperm.xlane v39, v0;
	v53 =	vand.u32 $0x7FFFFFFF, v17  }
0x62: {  	v37 =	vmul.f32 v49, v20;
	v20 =	vadd.f32 $-1.258291200e+07, v28;
	v28 =	vadd.f32 $1.258291200e+07, v35  }
0x63: {  	[tilespmem:s21+$0xFFFFFFE0] =	vst v31;
	v40 =	vpop (erf);
	v59 =	vmul.f32 v49, v19;
	v25 =	vadd.f32 $-1.258291200e+07, v25;
	v31 =	vadd.f32 $1.258291200e+07, v38  }
0x64: {  	v27 =	vmul.f32 v40, v27;
	v23 =	vmul.f32 v40, v23;
	v26 =	vmax.f32 v53, v26  }
0x65: {  	v34 =	vmax.f32 v34, v51;
	v22 =	vmax.f32 v39, v54;
	v55 =	vperm.xlane v26, v0  }
0x66: {  	v39 =	vmax.f32 v41, v57;
	v56 =	vperm.xlane v34, v3;
	v40 =	vperm.xlane v22, v2  }
0x67: {  	v60 =	vmul.f32 v20, v5;
	v20 =	vadd.f32 $1.258291200e+07, v30;
	v26 =	vmax.f32 v26, v55  }
0x68: {  	v34 =	vmax.f32 v34, v56;
	v21 =	vmax.f32 v22, v40;
	v42 =	vperm.xlane v26, v2  }
0x69: {  	v28 =	vadd.f32 $-1.258291200e+07, v28;
	v58 =	vperm.xlane v34, v4;
	v40 =	vperm.xlane v21, v3  }
0x6a: {  	v63 =	vmul.f32 v25, v7;
	v22 =	vperm.xlane v39, v3;
	v26 =	vmax.f32 v26, v42  }
0x6b: {  	v34 =	vmax.f32 v34, v58;
	v19 =	vmax.f32 v21, v40;
	v21 =	vperm.xlane v26, v3  }
0x6c: {  	v22 =	vmax.f32 v39, v22;
	v34 =	vmul.f32 v34, v1;
	v61 =	vperm.xlane v19, v4  }
0x6d: {  	v62 =	vmul.f32 v28, v6;
	v26 =	vmax.f32 v26, v21;
	v21 =	vperm.xlane v22, v4  }
0x6e: {  	vm12 =	veq.f32 v34, $0.0e+00;
	v25 =	vmax.f32 v19, v61;
	v28 =	vperm.xlane v26, v4  }
0x6f: {  	v25 =	vmul.f32 v25, v1;
	v30 =	vmax.f32 v22, v21;
	v22 =	vsel vm12, $0x3F800000, v34  }
0x70: {  	v19 =	vadd.f32 $1.258291200e+07, v24;
	v24 =	vmul.f32 v30, v1;
	(erf) = vrcp.f32 v22  }
0x71: {  	[tilespmem:s21+$0xFFFFFFF0] =	vst v36;
	v21 =	vadd.f32 $-1.258291200e+07, v20;
	v20 =	vadd.f32 $-1.258291200e+07, v33;
	v28 =	vmax.f32 v26, v28  }
0x72: {  	[tilespmem:s21+$0xFFFFFFC0] =	vst v29;
	v26 =	vadd.f32 $1.258291200e+07, v27;
	v29 =	vmul.f32 v28, v1;
	vm13 =	veq.f32 v24, $0.0e+00  }
0x73: {  	[tilespmem:s21+$0xFFFFFFD0] =	vst v32;
	vm14 =	veq.f32 v25, $0.0e+00;
	v28 =	vadd.f32 $1.258291200e+07, v23;
	v23 =	vsel vm13, $0x3F800000, v24  }
0x74: {  	[tilespmem:s21+$0x30] =	vst v60;
	v25 =	vsel vm14, $0x3F800000, v25;
	vm15 =	veq.f32 v29, $0.0e+00;
	(erf) = vrcp.f32 v23  }
0x75: {  	[tilespmem:s22+$0x30] =	vst v63;
	v27 =	vadd.f32 $1.258291200e+07, v44;
	v24 =	vsel vm15, $0x3F800000, v29;
	(erf) = vrcp.f32 v25  }
0x76: {  	s24 =	simm.s32 $0x8;
	s25 =	simm.s32 $0xE40;
	[tilespmem:s21+$0x0] =	vst v62;
	v30 =	vadd.f32 $1.258291200e+07, v59;
	v29 =	vadd.f32 $1.258291200e+07, v37;
	(erf) = vrcp.f32 v24  }
.LBB2_3:
0x77: {  	v32 =	vld [tilespmem:s25+$0x20];
	v26 =	vadd.f32 $-1.258291200e+07, v26;
	v28 =	vadd.f32 $-1.258291200e+07, v28;
	v33 =	vmul.f32 v21, v6;
	v6 =	vmovc v8;
	v8 =	vmovc v25  }
0x78: {  	s24 =	sadd.s32 $0x4, s24;
	v27 =	vadd.f32 $-1.258291200e+07, v27;
	v31 =	vadd.f32 $-1.258291200e+07, v31;
	v34 =	vmul.f32 v20, v5;
	v5 =	vmovc v7;
	v7 =	vmovc v22;
	v25 =	vld [tilespmem:s25+$0x30]  }
0x79: {  	p0 =	slt.u32 s24, $0x63C;
	v30 =	vadd.f32 $-1.258291200e+07, v30;
	v21 =	vadd.f32 $-1.258291200e+07, v29;
	v22 =	vld [tilespmem:s25+$0xFFFFFFD0];
	v20 =	vpop (erf);
	v26 =	vmul.f32 v26, v11;
	[tilespmem:s21+$0x10] =	vst v33  }
0x7a: {  	v29 =	vld [tilespmem:s25+$0xFFFFFFE0];
	v35 =	vmul.f32 v20, v16;
	v18 =	vmul.f32 v20, v18;
	v20 =	vadd.f32 $-1.258291200e+07, v19;
	[tilespmem:s21+$0x20] =	vst v34;
	s21 =	smov.u32 s22;
	s22 =	smov.u32 s23;
	s23 =	smov.u32 s25  }
0x7b: {  	v27 =	vmul.f32 v27, v9;
	v33 =	vld [tilespmem:s25+$0xFFFFFFF0];
	[tilespmem:s21+$0xFFFFFFC0] =	vst v26;
	v26 =	vmul.f32 v28, v11;
	v11 =	vmov v24  }
0x7c: {  	v28 =	vmul.f32 v31, v9;
	v9 =	vmovc v23;
	v24 =	vld [tilespmem:s25+$0x0];
	v19 =	vadd.f32 $1.258291200e+07, v35;
	v18 =	vadd.f32 $1.258291200e+07, v18;
	v16 =	vmovc v32  }
0x7d: {  	v23 =	vld [tilespmem:s25+$0x10];
	v31 =	vand.u32 $0x7FFFFFFF, v16;
	v36 =	vand.u32 $0x7FFFFFFF, v25;
	v34 =	vpop (erf);
	[tilespmem:s21+$0xFFFFFFD0] =	vst v26;
	v26 =	vmul.f32 v30, v6  }
0x7e: {  	v30 =	vld [tilespmem:s25+$0xFFFFFFC0];
	v35 =	vand.u32 $0x7FFFFFFF, v22;
	v31 =	vmax.f32 v31, v36;
	v39 =	vadd.f32 $-1.258291200e+07, v18;
	v32 =	vpop (erf);
	[tilespmem:s21+$0xFFFFFFE0] =	vst v27  }
0x7f: {  	v37 =	vmul.f32 v34, v15;
	v27 =	vand.u32 $0x7FFFFFFF, v29;
	v36 =	vperm.xlane v31, v0;
	v38 =	vpop (erf);
	[tilespmem:s21+$0xFFFFFFF0] =	vst v28  }
0x80: {  	v40 =	vand.u32 $0x7FFFFFFF, v33;
	v28 =	vmul.f32 v38, v17;
	v41 =	vmul.f32 v39, v7;
	[tilespmem:s21+$0x0] =	vst v26;
	v18 =	vmovc v25  }
0x81: {  	v15 =	vmovc v29;
	v25 =	vmax.f32 v27, v40;
	v26 =	vand.u32 $0x7FFFFFFF, v24;
	v27 =	vmax.f32 v31, v36  }
0x82: {  	v29 =	vperm.xlane v25, v0;
	v31 =	vand.u32 $0x7FFFFFFF, v23;
	v36 =	vperm.xlane v27, v2;
	[tilespmem:s22+$0x30] =	vst v41  }
0x83: {  	v39 =	vand.u32 $0x7FFFFFFF, v30;
	v26 =	vmax.f32 v26, v31;
	v31 =	vmul.f32 v38, v10;
	v10 =	vmovc v22;
	v17 =	vmovc v30  }
0x84: {  	v22 =	vmax.f32 v39, v35;
	v30 =	vperm.xlane v26, v0;
	v27 =	vmax.f32 v27, v36  }
0x85: {  	v25 =	vmax.f32 v25, v29;
	v35 =	vperm.xlane v22, v0;
	v29 =	vperm.xlane v27, v3  }
0x86: {  	v36 =	vperm.xlane v25, v2;
	v26 =	vmax.f32 v26, v30;
	v30 =	vmul.f32 v34, v12;
	v12 =	vmovc v33  }
0x87: {  	v22 =	vmax.f32 v22, v35;
	v33 =	vperm.xlane v26, v2;
	v27 =	vmax.f32 v27, v29  }
0x88: {  	v25 =	vmax.f32 v25, v36;
	v29 =	vperm.xlane v22, v2;
	v34 =	vperm.xlane v27, v4  }
0x89: {  	v35 =	vperm.xlane v25, v3;
	v26 =	vmax.f32 v26, v33;
	v33 =	vmul.f32 v32, v13;
	v13 =	vmovc v24  }
0x8a: {  	v22 =	vmax.f32 v22, v29;
	v24 =	vperm.xlane v26, v3;
	v27 =	vmax.f32 v27, v34  }
0x8b: {  	v25 =	vmax.f32 v25, v35;
	v29 =	vperm.xlane v22, v3;
	v27 =	vmul.f32 v27, v1  }
0x8c: {  	v32 =	vmul.f32 v32, v14;
	v14 =	vmovc v23;
	v34 =	vperm.xlane v25, v4;
	v24 =	vmax.f32 v26, v24  }
0x8d: {  	v23 =	vmax.f32 v22, v29;
	v26 =	vperm.xlane v24, v4;
	vm0 =	veq.f32 v27, $0.0e+00  }
0x8e: {  	v25 =	vmax.f32 v25, v34;
	v29 =	vperm.xlane v23, v4;
	v22 =	vsel vm0, $0x3F800000, v27  }
0x8f: {  	v25 =	vmul.f32 v25, v1;
	v24 =	vmax.f32 v24, v26;
	(erf) = vrcp.f32 v22  }
0x90: {  	v26 =	vadd.f32 $1.258291200e+07, v28;
	v23 =	vmax.f32 v23, v29;
	v24 =	vmul.f32 v24, v1  }
.Ltmp2:
0x91: {  	v28 =	vadd.f32 $1.258291200e+07, v31;
	vm0 =	veq.f32 v25, $0.0e+00;
	v29 =	vmul.f32 v23, v1;
	(pc) =	sbr.rel @p0 .LBB2_3-.Ltmp2, $4  }
0x92: {  	v27 =	vadd.f32 $1.258291200e+07, v37;
	v23 =	vsel vm0, $0x3F800000, v25;
	vm0 =	veq.f32 v24, $0.0e+00  }
0x93: {  	vm1 =	veq.f32 v29, $0.0e+00;
	v25 =	vsel vm0, $0x3F800000, v24;
	(erf) = vrcp.f32 v23  }
0x94: {  	v31 =	vadd.f32 $1.258291200e+07, v30;
	v24 =	vsel vm1, $0x3F800000, v29;
	(erf) = vrcp.f32 v25  }
0x95: {  	s25 =	sadd.s32 $0x80, s25;
	v30 =	vadd.f32 $1.258291200e+07, v33;
	v29 =	vadd.f32 $1.258291200e+07, v32;
	(erf) = vrcp.f32 v24  }
0x96: {  	_ =	sdelay $0x1  }
0x97: {  	v6 =	vmul.f32 v21, v6;
	v21 =	vpop (erf)  }
0x98: {  	v26 =	vadd.f32 $-1.258291200e+07, v26;
	v28 =	vadd.f32 $-1.258291200e+07, v28;
	v18 =	vmul.f32 v21, v18  }
0x99: {  	v27 =	vadd.f32 $-1.258291200e+07, v27;
	v31 =	vadd.f32 $-1.258291200e+07, v31;
	v5 =	vmul.f32 v20, v5  }
0x9a: {  	v19 =	vadd.f32 $-1.258291200e+07, v19;
	v20 =	vmul.f32 v26, v11;
	v11 =	vmul.f32 v28, v11  }
0x9b: {  	v26 =	vadd.f32 $-1.258291200e+07, v30;
	[tilespmem:s21+$0x20] =	vst v5;
	v5 =	vmul.f32 v27, v9;
	v9 =	vmul.f32 v31, v9;
	v30 =	vpop (erf)  }
0x9c: {  	[tilespmem:s21+$0x10] =	vst v6;
	v6 =	vmul.f32 v21, v16;
	v21 =	vadd.f32 $-1.258291200e+07, v29;
	v16 =	vadd.f32 $1.258291200e+07, v18;
	v18 =	vpop (erf)  }
0x9d: {  	v7 =	vmul.f32 v19, v7;
	[tilespmem:s22+$0xFFFFFFC0] =	vst v20;
	v20 =	vmul.f32 v26, v8;
	v27 =	vpop (erf)  }
0x9e: {  	[tilespmem:s22+$0xFFFFFFD0] =	vst v11;
	v8 =	vmul.f32 v21, v8;
	v6 =	vadd.f32 $1.258291200e+07, v6;
	v17 =	vmul.f32 v27, v17  }
0x9f: {  	[tilespmem:s22+$0xFFFFFFE0] =	vst v5;
	v16 =	vadd.f32 $-1.258291200e+07, v16;
	v11 =	vmul.f32 v30, v15;
	v10 =	vmul.f32 v27, v10  }
0xa0: {  	[tilespmem:s22+$0xFFFFFFF0] =	vst v9;
	v12 =	vmul.f32 v30, v12;
	v6 =	vadd.f32 $-1.258291200e+07, v6;
	v15 =	vadd.f32 $1.258291200e+07, v17  }
0xa1: {  	[tilespmem:s22+$0x20] =	vst v7;
	v9 =	vmul.f32 v18, v13;
	v5 =	vmul.f32 v16, v22;
	v10 =	vadd.f32 $1.258291200e+07, v10  }
0xa2: {  	[tilespmem:s22+$0x0] =	vst v20;
	v13 =	vmul.f32 v18, v14;
	v11 =	vadd.f32 $1.258291200e+07, v11;
	v14 =	vadd.f32 $-1.258291200e+07, v15  }
0xa3: {  	v6 =	vmul.f32 v6, v22;
	[tilespmem:s23+$0x30] =	vst v5;
	v5 =	vadd.f32 $1.258291200e+07, v12;
	v10 =	vadd.f32 $-1.258291200e+07, v10  }
0xa4: {  	[tilespmem:s22+$0x10] =	vst v8;
	v9 =	vadd.f32 $1.258291200e+07, v9;
	v11 =	vadd.f32 $-1.258291200e+07, v11;
	v12 =	vmul.f32 v14, v24  }
0xa5: {  	v8 =	vadd.f32 $1.258291200e+07, v13;
	[tilespmem:s23+$0x20] =	vst v6;
	v5 =	vadd.f32 $-1.258291200e+07, v5;
	v7 =	vmul.f32 v10, v24  }
0xa6: {  	v9 =	vadd.f32 $-1.258291200e+07, v9;
	v10 =	vmul.f32 v11, v23;
	[tilespmem:s23+$0xFFFFFFC0] =	vst v12  }
0xa7: {  	s21 =	smul.u32 $0xC80, s20;
	v8 =	vadd.f32 $-1.258291200e+07, v8;
	v5 =	vmul.f32 v5, v23;
	[tilespmem:s23+$0xFFFFFFD0] =	vst v7  }
0xa8: {  	v7 =	vmul.f32 v9, v25;
	[tilespmem:s23+$0xFFFFFFE0] =	vst v10  }
0xa9: {  	s31 =	sadd.s32 s4, s21;
	[tilespmem:s23+$0xFFFFFFF0] =	vst v5;
	v5 =	vmul.f32 v8, v25  }
0xaa: {  	s22 =	sshll.u32 s31, $0x2;
	[tilespmem:s23+$0x0] =	vst v7  }
0xab: {  	p0 =	seq.s32 s20, $0x7;
	s22 =	sadd.s32 s1, s22;
	[tilespmem:s23+$0x10] =	vst v5  }
0xac: {  	[hbm4b:s22+s2] =	stream.linear.scatter [tilespmem:s15], [sflag:$0x3], $0xC800, $0x38;
	[tilespmem:$0x19C80] =	vst v63  }
0xad: {  	s22 =	sadd.s32 @!p0 s21, s10;
	_ =	swait.ge [sflag:s13], $0xC800  }
0xae: {  	s22 =	sshrl.u32 @!p0 s22, $0x3;
	[sflag:s13] =	ssyncset.done $0x0  }
0xaf: {  	s23 =	simm.s32 @!p0 $0x0;
	s22 =	sadd.s32 @!p0 s6, s22;
	[sflag:s13] =	ssyncadd.s32 $0xFFFF3800  }
0xb0: {  	[tilespmem:s23], [sflag:$0x3] =	stream.linear.gather @!p0 [hbm4b:s22+s23], $0x640, $0x38;
	[tilespmem:$0x19C80] =	vst v63  }
0xb1: {  	s22 =	simm.s32 @!p0 $0x3  }
0xb2: {  	_ =	swait.ge @!p0 [sflag:s22], $0x640  }
0xb3: {  	[sflag:s22] =	ssyncset.done @!p0 $0x0  }
0xb4: {  	s24 =	simm.s32 @!p0 $0xC80;
	[sflag:s22] =	ssyncadd.s32 @!p0 $0xFFFFF9C0;
	s22 =	simm.s32 @!p0 $0x640  }
0xb5: {  	[tilespmem:s24], [sflag:$0x1] =	stream.indirect.gather @!p0 [hbm4b:s5+s22], $0x20, s23, s22, $0xb8;
	[tilespmem:$0x19C80] =	vst v63  }
0xb6: {  	_ =	swait.ge [sflag:s18], $0xC800  }
0xb7: {  	[sflag:s18] =	ssyncset.done $0x0  }
0xb8: {  	s22 =	simm.s32 $0xD4C0;
	[sflag:s18] =	ssyncadd.s32 $0xFFFF3800  }
0xb9: {  	v10 =	vld [tilespmem:s22+$0x20]  }
0xba: {  	v12 =	vld [tilespmem:s22+$0x30]  }
0xbb: {  	v17 =	vld [tilespmem:s22+$0xFFFFFFD0]  }
0xbc: {  	v18 =	vld [tilespmem:s22+$0xFFFFFFE0]  }
0xbd: {  	v15 =	vld [tilespmem:s22+$0xFFFFFFF0]  }
0xbe: {  	v14 =	vld [tilespmem:s22+$0x0]  }
0xbf: {  	v13 =	vld [tilespmem:s22+$0x10]  }
0xc0: {  	v16 =	vld [tilespmem:s22+$0xFFFFFFC0];
	_ =	sdelay $0x1  }
0xc1: {  	v5 =	vand.u32 $0x7FFFFFFF, v10;
	v6 =	vand.u32 $0x7FFFFFFF, v12  }
0xc2: {  	v8 =	vand.u32 $0x7FFFFFFF, v15;
	v9 =	vand.u32 $0x7FFFFFFF, v17;
	v5 =	vmax.f32 v5, v6  }
0xc3: {  	v11 =	vand.u32 $0x7FFFFFFF, v13;
	v6 =	vand.u32 $0x7FFFFFFF, v18;
	v7 =	vperm.xlane v5, v0  }
0xc4: {  	s23 =	simm.s32 $0xD540;
	v20 =	vand.u32 $0x7FFFFFFF, v16;
	v6 =	vmax.f32 v6, v8;
	v8 =	vand.u32 $0x7FFFFFFF, v14  }
0xc5: {  	v21 =	vld [tilespmem:s23+$0xFFFFFFF0];
	v8 =	vmax.f32 v8, v11;
	v5 =	vmax.f32 v5, v7;
	v7 =	vperm.xlane v6, v0  }
0xc6: {  	v9 =	vmax.f32 v20, v9;
	v11 =	vperm.xlane v8, v0;
	v19 =	vperm.xlane v5, v2  }
0xc7: {  	v6 =	vmax.f32 v6, v7;
	v7 =	vperm.xlane v9, v0  }
0xc8: {  	v23 =	vld [tilespmem:s23+$0xFFFFFFD0];
	v8 =	vmax.f32 v8, v11;
	v5 =	vmax.f32 v5, v19  }
0xc9: {  	v19 =	vperm.xlane v6, v2;
	v7 =	vmax.f32 v9, v7;
	v9 =	vperm.xlane v8, v2  }
0xca: {  	v28 =	vand.u32 $0x7FFFFFFF, v21;
	v20 =	vperm.xlane v5, v3  }
0xcb: {  	v27 =	vld [tilespmem:s23+$0xFFFFFFC0];
	v6 =	vmax.f32 v6, v19;
	v11 =	vperm.xlane v7, v2;
	v8 =	vmax.f32 v8, v9  }
0xcc: {  	v5 =	vmax.f32 v5, v20;
	v19 =	vperm.xlane v6, v3;
	v9 =	vperm.xlane v8, v3  }
0xcd: {  	v29 =	vand.u32 $0x7FFFFFFF, v23;
	v20 =	vperm.xlane v5, v4;
	v7 =	vmax.f32 v7, v11  }
0xce: {  	v24 =	vld [tilespmem:s23+$0x20];
	v6 =	vmax.f32 v6, v19;
	v11 =	vperm.xlane v7, v3;
	v8 =	vmax.f32 v8, v9  }
0xcf: {  	v25 =	vld [tilespmem:s23+$0x30];
	v5 =	vmax.f32 v5, v20;
	v19 =	vperm.xlane v6, v4;
	v9 =	vperm.xlane v8, v4  }
0xd0: {  	v31 =	vand.u32 $0x7FFFFFFF, v27;
	v5 =	vmul.f32 v5, v1;
	v7 =	vmax.f32 v7, v11  }
0xd1: {  	v22 =	vld [tilespmem:s23+$0xFFFFFFE0];
	v6 =	vmax.f32 v6, v19;
	v11 =	vperm.xlane v7, v4;
	v8 =	vmax.f32 v8, v9  }
0xd2: {  	v29 =	vmax.f32 v31, v29;
	v20 =	vld [tilespmem:s23+$0x10];
	v6 =	vmul.f32 v6, v1;
	v8 =	vmul.f32 v8, v1  }
0xd3: {  	v19 =	vld [tilespmem:s23+$0x0];
	vm0 =	veq.f32 v5, $0.0e+00;
	v9 =	vand.u32 $0x7FFFFFFF, v24;
	v7 =	vmax.f32 v7, v11  }
0xd4: {  	v11 =	vand.u32 $0x7FFFFFFF, v25;
	vm6 =	veq.f32 v6, $0.0e+00;
	vm7 =	veq.f32 v8, $0.0e+00  }
0xd5: {  	v26 =	vsel vm6, $0x3F800000, v6;
	v6 =	vsel vm7, $0x3F800000, v8;
	v8 =	vmax.f32 v9, v11  }
0xd6: {  	v5 =	vsel vm0, $0x3F800000, v5;
	v9 =	vand.u32 $0x7FFFFFFF, v22;
	v11 =	vperm.xlane v8, v0  }
0xd7: {  	(erf) = vrcp.f32 v5;
	v7 =	vmul.f32 v7, v1;
	v9 =	vmax.f32 v9, v28  }
0xd8: {  	v28 =	vand.u32 $0x7FFFFFFF, v19;
	v8 =	vmax.f32 v8, v11;
	v11 =	vand.u32 $0x7FFFFFFF, v20  }
0xd9: {  	(erf) = vrcp.f32 v26;
	v30 =	vperm.xlane v9, v0;
	v11 =	vmax.f32 v28, v11  }
0xda: {  	vm1 =	veq.f32 v7, $0.0e+00;
	v28 =	vperm.xlane v8, v2;
	v31 =	vperm.xlane v11, v0  }
0xdb: {  	v32 =	vsel vm1, $0x3F800000, v7;
	v7 =	vperm.xlane v29, v0;
	v9 =	vmax.f32 v9, v30  }
0xdc: {  	v8 =	vmax.f32 v8, v28;
	v28 =	vperm.xlane v9, v2;
	v11 =	vmax.f32 v11, v31  }
0xdd: {  	v7 =	vmax.f32 v29, v7;
	v30 =	vperm.xlane v8, v3;
	v29 =	vperm.xlane v11, v2  }
0xde: {  	(erf) = vrcp.f32 v6;
	v31 =	vperm.xlane v7, v2;
	v9 =	vmax.f32 v9, v28  }
0xdf: {  	v8 =	vmax.f32 v8, v30;
	v28 =	vperm.xlane v9, v3;
	v11 =	vmax.f32 v11, v29  }
0xe0: {  	v7 =	vmax.f32 v7, v31;
	v29 =	vperm.xlane v8, v4;
	v30 =	vperm.xlane v11, v3  }
0xe1: {  	(erf) = vrcp.f32 v32;
	v31 =	vperm.xlane v7, v3;
	v9 =	vmax.f32 v9, v28  }
0xe2: {  	v8 =	vmax.f32 v8, v29;
	v28 =	vperm.xlane v9, v4;
	v11 =	vmax.f32 v11, v30  }
0xe3: {  	v29 =	vmax.f32 v7, v31;
	v8 =	vmul.f32 v8, v1;
	v7 =	vperm.xlane v11, v4  }
0xe4: {  	v30 =	vperm.xlane v29, v4;
	v9 =	vmax.f32 v9, v28  }
0xe5: {  	vm8 =	veq.f32 v8, $0.0e+00;
	v9 =	vmul.f32 v9, v1;
	v11 =	vmax.f32 v11, v7  }
0xe6: {  	v7 =	vsel vm8, $0x3F800000, v8;
	v8 =	vmax.f32 v29, v30;
	v11 =	vmul.f32 v11, v1  }
0xe7: {  	v28 =	vpop (erf);
	(erf) = vrcp.f32 v7;
	v29 =	vmul.f32 v8, v1  }
0xe8: {  	vm9 =	veq.f32 v9, $0.0e+00;
	v30 =	vpop (erf);
	v63 =	vmul.f32 v28, v10;
	v28 =	vmul.f32 v28, v12  }
0xe9: {  	s24 =	simm.s32 $0xD5C0;
	v9 =	vsel vm9, $0x3F800000, v9;
	v34 =	vmul.f32 v30, v18;
	v30 =	vmul.f32 v30, v15  }
0xea: {  	v12 =	vld [tilespmem:s24+$0xFFFFFFF0];
	v31 =	vpop (erf);
	vm10 =	veq.f32 v11, $0.0e+00;
	vm11 =	veq.f32 v29, $0.0e+00;
	(erf) = vrcp.f32 v9  }
0xeb: {  	v18 =	vld [tilespmem:s24+$0x30];
	v33 =	vpop (erf);
	v35 =	vmul.f32 v31, v14;
	v28 =	vadd.f32 $1.258291200e+07, v28;
	v8 =	vsel vm10, $0x3F800000, v11  }
0xec: {  	v15 =	vld [tilespmem:s24+$0xFFFFFFE0];
	v11 =	vsel vm11, $0x3F800000, v29;
	v29 =	vmul.f32 v33, v16;
	v17 =	vmul.f32 v33, v17  }
0xed: {  	v10 =	vld [tilespmem:s24+$0xFFFFFFD0];
	v34 =	vadd.f32 $1.258291200e+07, v34;
	v14 =	vadd.f32 $1.258291200e+07, v30;
	v30 =	vmul.f32 v31, v13  }
0xee: {  	v16 =	vld [tilespmem:s24+$0x20];
	v33 =	vadd.f32 $1.258291200e+07, v63;
	(erf) = vrcp.f32 v8;
	v29 =	vadd.f32 $1.258291200e+07, v29  }
0xef: {  	(erf) = vrcp.f32 v11;
	v17 =	vadd.f32 $1.258291200e+07, v17;
	v31 =	vadd.f32 $-1.258291200e+07, v34  }
0xf0: {  	v13 =	vld [tilespmem:s24+$0x0];
	v36 =	vadd.f32 $-1.258291200e+07, v14;
	v42 =	vand.u32 $0x7FFFFFFF, v12;
	v37 =	vand.u32 $0x7FFFFFFF, v18  }
0xf1: {  	v14 =	vld [tilespmem:s24+$0x10];
	v41 =	vand.u32 $0x7FFFFFFF, v15;
	v29 =	vadd.f32 $-1.258291200e+07, v29;
	v17 =	vadd.f32 $-1.258291200e+07, v17  }
0xf2: {  	v31 =	vmul.f32 v31, v26;
	v36 =	vmul.f32 v36, v26;
	v41 =	vmax.f32 v41, v42  }
0xf3: {  	v26 =	vand.u32 $0x7FFFFFFF, v10;
	v48 =	vand.u32 $0x7FFFFFFF, v16;
	v52 =	vperm.xlane v41, v0  }
0xf4: {  	v47 =	vpop (erf);
	v29 =	vmul.f32 v29, v32;
	v32 =	vmul.f32 v17, v32;
	v17 =	vld [tilespmem:s24+$0xFFFFFFC0];
	v34 =	vmax.f32 v48, v37  }
0xf5: {  	v43 =	vand.u32 $0x7FFFFFFF, v13;
	v24 =	vmul.f32 v47, v24;
	v39 =	vperm.xlane v34, v0  }
0xf6: {  	v25 =	vmul.f32 v47, v25;
	v50 =	vand.u32 $0x7FFFFFFF, v14;
	v41 =	vmax.f32 v41, v52  }
0xf7: {  	v38 =	vpop (erf);
	v57 =	vperm.xlane v41, v2;
	v34 =	vmax.f32 v34, v39;
	v39 =	vmax.f32 v43, v50  }
0xf8: {  	v44 =	vmul.f32 v38, v22;
	v38 =	vmul.f32 v38, v21;
	v25 =	vadd.f32 $1.258291200e+07, v25  }
0xf9: {  	v49 =	vpop (erf);
	v51 =	vperm.xlane v34, v2;
	v54 =	vperm.xlane v39, v0;
	v53 =	vand.u32 $0x7FFFFFFF, v17  }
0xfa: {  	v37 =	vmul.f32 v49, v20;
	v20 =	vadd.f32 $-1.258291200e+07, v28;
	v28 =	vadd.f32 $1.258291200e+07, v35  }
0xfb: {  	[tilespmem:s22+$0xFFFFFFE0] =	vst v31;
	v40 =	vpop (erf);
	v59 =	vmul.f32 v49, v19;
	v25 =	vadd.f32 $-1.258291200e+07, v25;
	v31 =	vadd.f32 $1.258291200e+07, v38  }
0xfc: {  	v27 =	vmul.f32 v40, v27;
	v23 =	vmul.f32 v40, v23;
	v26 =	vmax.f32 v53, v26  }
0xfd: {  	v34 =	vmax.f32 v34, v51;
	v22 =	vmax.f32 v39, v54;
	v55 =	vperm.xlane v26, v0  }
0xfe: {  	v39 =	vmax.f32 v41, v57;
	v56 =	vperm.xlane v34, v3;
	v40 =	vperm.xlane v22, v2  }
0xff: {  	v60 =	vmul.f32 v20, v5;
	v20 =	vadd.f32 $1.258291200e+07, v30;
	v26 =	vmax.f32 v26, v55  }
0x100: {  	v34 =	vmax.f32 v34, v56;
	v21 =	vmax.f32 v22, v40;
	v42 =	vperm.xlane v26, v2  }
0x101: {  	v28 =	vadd.f32 $-1.258291200e+07, v28;
	v58 =	vperm.xlane v34, v4;
	v40 =	vperm.xlane v21, v3  }
0x102: {  	v63 =	vmul.f32 v25, v7;
	v22 =	vperm.xlane v39, v3;
	v26 =	vmax.f32 v26, v42  }
0x103: {  	v34 =	vmax.f32 v34, v58;
	v19 =	vmax.f32 v21, v40;
	v21 =	vperm.xlane v26, v3  }
0x104: {  	v22 =	vmax.f32 v39, v22;
	v34 =	vmul.f32 v34, v1;
	v61 =	vperm.xlane v19, v4  }
0x105: {  	v62 =	vmul.f32 v28, v6;
	v26 =	vmax.f32 v26, v21;
	v21 =	vperm.xlane v22, v4  }
0x106: {  	vm12 =	veq.f32 v34, $0.0e+00;
	v25 =	vmax.f32 v19, v61;
	v28 =	vperm.xlane v26, v4  }
0x107: {  	v25 =	vmul.f32 v25, v1;
	v30 =	vmax.f32 v22, v21;
	v22 =	vsel vm12, $0x3F800000, v34  }
0x108: {  	v19 =	vadd.f32 $1.258291200e+07, v24;
	v24 =	vmul.f32 v30, v1;
	(erf) = vrcp.f32 v22  }
0x109: {  	[tilespmem:s22+$0xFFFFFFF0] =	vst v36;
	v21 =	vadd.f32 $-1.258291200e+07, v20;
	v20 =	vadd.f32 $-1.258291200e+07, v33;
	v28 =	vmax.f32 v26, v28  }
0x10a: {  	[tilespmem:s22+$0xFFFFFFC0] =	vst v29;
	v26 =	vadd.f32 $1.258291200e+07, v27;
	v29 =	vmul.f32 v28, v1;
	vm13 =	veq.f32 v24, $0.0e+00  }
0x10b: {  	[tilespmem:s22+$0xFFFFFFD0] =	vst v32;
	vm14 =	veq.f32 v25, $0.0e+00;
	v28 =	vadd.f32 $1.258291200e+07, v23;
	v23 =	vsel vm13, $0x3F800000, v24  }
0x10c: {  	[tilespmem:s22+$0x30] =	vst v60;
	v25 =	vsel vm14, $0x3F800000, v25;
	vm15 =	veq.f32 v29, $0.0e+00;
	(erf) = vrcp.f32 v23  }
0x10d: {  	[tilespmem:s23+$0x30] =	vst v63;
	v27 =	vadd.f32 $1.258291200e+07, v44;
	v24 =	vsel vm15, $0x3F800000, v29;
	(erf) = vrcp.f32 v25  }
0x10e: {  	s25 =	simm.s32 $0x8;
	s26 =	simm.s32 $0xD640;
	[tilespmem:s22+$0x0] =	vst v62;
	v30 =	vadd.f32 $1.258291200e+07, v59;
	v29 =	vadd.f32 $1.258291200e+07, v37;
	(erf) = vrcp.f32 v24  }
.LBB2_5:
0x10f: {  	v32 =	vld [tilespmem:s26+$0x20];
	v26 =	vadd.f32 $-1.258291200e+07, v26;
	v28 =	vadd.f32 $-1.258291200e+07, v28;
	v33 =	vmul.f32 v21, v6;
	v6 =	vmovc v8;
	v8 =	vmovc v25  }
0x110: {  	s25 =	sadd.s32 $0x4, s25;
	v27 =	vadd.f32 $-1.258291200e+07, v27;
	v31 =	vadd.f32 $-1.258291200e+07, v31;
	v34 =	vmul.f32 v20, v5;
	v5 =	vmovc v7;
	v7 =	vmovc v22;
	v25 =	vld [tilespmem:s26+$0x30]  }
0x111: {  	p1 =	slt.u32 s25, $0x63C;
	v30 =	vadd.f32 $-1.258291200e+07, v30;
	v21 =	vadd.f32 $-1.258291200e+07, v29;
	v22 =	vld [tilespmem:s26+$0xFFFFFFD0];
	v20 =	vpop (erf);
	v26 =	vmul.f32 v26, v11;
	[tilespmem:s22+$0x10] =	vst v33  }
0x112: {  	v29 =	vld [tilespmem:s26+$0xFFFFFFE0];
	v35 =	vmul.f32 v20, v16;
	v18 =	vmul.f32 v20, v18;
	v20 =	vadd.f32 $-1.258291200e+07, v19;
	[tilespmem:s22+$0x20] =	vst v34;
	s22 =	smov.u32 s23;
	s23 =	smov.u32 s24;
	s24 =	smov.u32 s26  }
0x113: {  	v27 =	vmul.f32 v27, v9;
	v33 =	vld [tilespmem:s26+$0xFFFFFFF0];
	[tilespmem:s22+$0xFFFFFFC0] =	vst v26;
	v26 =	vmul.f32 v28, v11;
	v11 =	vmov v24  }
0x114: {  	v28 =	vmul.f32 v31, v9;
	v9 =	vmovc v23;
	v24 =	vld [tilespmem:s26+$0x0];
	v19 =	vadd.f32 $1.258291200e+07, v35;
	v18 =	vadd.f32 $1.258291200e+07, v18;
	v16 =	vmovc v32  }
0x115: {  	v23 =	vld [tilespmem:s26+$0x10];
	v31 =	vand.u32 $0x7FFFFFFF, v16;
	v36 =	vand.u32 $0x7FFFFFFF, v25;
	v34 =	vpop (erf);
	[tilespmem:s22+$0xFFFFFFD0] =	vst v26;
	v26 =	vmul.f32 v30, v6  }
0x116: {  	v30 =	vld [tilespmem:s26+$0xFFFFFFC0];
	v35 =	vand.u32 $0x7FFFFFFF, v22;
	v31 =	vmax.f32 v31, v36;
	v39 =	vadd.f32 $-1.258291200e+07, v18;
	v32 =	vpop (erf);
	[tilespmem:s22+$0xFFFFFFE0] =	vst v27  }
0x117: {  	v37 =	vmul.f32 v34, v15;
	v27 =	vand.u32 $0x7FFFFFFF, v29;
	v36 =	vperm.xlane v31, v0;
	v38 =	vpop (erf);
	[tilespmem:s22+$0xFFFFFFF0] =	vst v28  }
0x118: {  	v40 =	vand.u32 $0x7FFFFFFF, v33;
	v28 =	vmul.f32 v38, v17;
	v41 =	vmul.f32 v39, v7;
	[tilespmem:s22+$0x0] =	vst v26;
	v18 =	vmovc v25  }
0x119: {  	v15 =	vmovc v29;
	v25 =	vmax.f32 v27, v40;
	v26 =	vand.u32 $0x7FFFFFFF, v24;
	v27 =	vmax.f32 v31, v36  }
0x11a: {  	v29 =	vperm.xlane v25, v0;
	v31 =	vand.u32 $0x7FFFFFFF, v23;
	v36 =	vperm.xlane v27, v2;
	[tilespmem:s23+$0x30] =	vst v41  }
0x11b: {  	v39 =	vand.u32 $0x7FFFFFFF, v30;
	v26 =	vmax.f32 v26, v31;
	v31 =	vmul.f32 v38, v10;
	v10 =	vmovc v22;
	v17 =	vmovc v30  }
0x11c: {  	v22 =	vmax.f32 v39, v35;
	v30 =	vperm.xlane v26, v0;
	v27 =	vmax.f32 v27, v36  }
0x11d: {  	v25 =	vmax.f32 v25, v29;
	v35 =	vperm.xlane v22, v0;
	v29 =	vperm.xlane v27, v3  }
0x11e: {  	v36 =	vperm.xlane v25, v2;
	v26 =	vmax.f32 v26, v30;
	v30 =	vmul.f32 v34, v12;
	v12 =	vmovc v33  }
0x11f: {  	v22 =	vmax.f32 v22, v35;
	v33 =	vperm.xlane v26, v2;
	v27 =	vmax.f32 v27, v29  }
0x120: {  	v25 =	vmax.f32 v25, v36;
	v29 =	vperm.xlane v22, v2;
	v34 =	vperm.xlane v27, v4  }
0x121: {  	v35 =	vperm.xlane v25, v3;
	v26 =	vmax.f32 v26, v33;
	v33 =	vmul.f32 v32, v13;
	v13 =	vmovc v24  }
0x122: {  	v22 =	vmax.f32 v22, v29;
	v24 =	vperm.xlane v26, v3;
	v27 =	vmax.f32 v27, v34  }
0x123: {  	v25 =	vmax.f32 v25, v35;
	v29 =	vperm.xlane v22, v3;
	v27 =	vmul.f32 v27, v1  }
0x124: {  	v32 =	vmul.f32 v32, v14;
	v14 =	vmovc v23;
	v34 =	vperm.xlane v25, v4;
	v24 =	vmax.f32 v26, v24  }
0x125: {  	v23 =	vmax.f32 v22, v29;
	v26 =	vperm.xlane v24, v4;
	vm0 =	veq.f32 v27, $0.0e+00  }
0x126: {  	v25 =	vmax.f32 v25, v34;
	v29 =	vperm.xlane v23, v4;
	v22 =	vsel vm0, $0x3F800000, v27  }
0x127: {  	v25 =	vmul.f32 v25, v1;
	v24 =	vmax.f32 v24, v26;
	(erf) = vrcp.f32 v22  }
0x128: {  	v26 =	vadd.f32 $1.258291200e+07, v28;
	v23 =	vmax.f32 v23, v29;
	v24 =	vmul.f32 v24, v1  }
.Ltmp3:
0x129: {  	v28 =	vadd.f32 $1.258291200e+07, v31;
	vm0 =	veq.f32 v25, $0.0e+00;
	v29 =	vmul.f32 v23, v1;
	(pc) =	sbr.rel @p1 .LBB2_5-.Ltmp3, $4  }
0x12a: {  	v27 =	vadd.f32 $1.258291200e+07, v37;
	v23 =	vsel vm0, $0x3F800000, v25;
	vm0 =	veq.f32 v24, $0.0e+00  }
0x12b: {  	vm1 =	veq.f32 v29, $0.0e+00;
	v25 =	vsel vm0, $0x3F800000, v24;
	(erf) = vrcp.f32 v23  }
0x12c: {  	v31 =	vadd.f32 $1.258291200e+07, v30;
	v24 =	vsel vm1, $0x3F800000, v29;
	(erf) = vrcp.f32 v25  }
0x12d: {  	s26 =	sadd.s32 $0x80, s26;
	v30 =	vadd.f32 $1.258291200e+07, v33;
	v29 =	vadd.f32 $1.258291200e+07, v32;
	(erf) = vrcp.f32 v24  }
0x12e: {  	_ =	sdelay $0x1  }
0x12f: {  	v26 =	vadd.f32 $-1.258291200e+07, v26;
	v28 =	vadd.f32 $-1.258291200e+07, v28;
	v6 =	vmul.f32 v21, v6  }
0x130: {  	v27 =	vadd.f32 $-1.258291200e+07, v27;
	v31 =	vadd.f32 $-1.258291200e+07, v31;
	v5 =	vmul.f32 v20, v5  }
0x131: {  	v19 =	vadd.f32 $-1.258291200e+07, v19;
	v44 =	vpop (erf);
	v45 =	vmul.f32 v26, v11;
	v48 =	vmul.f32 v28, v11  }
0x132: {  	v46 =	vadd.f32 $-1.258291200e+07, v30;
	[tilespmem:s22+$0x20] =	vst v5;
	v5 =	vmul.f32 v27, v9;
	v18 =	vmul.f32 v44, v18  }
0x133: {  	v51 =	vadd.f32 $-1.258291200e+07, v29;
	[tilespmem:s22+$0x10] =	vst v6;
	v52 =	vmul.f32 v31, v9;
	v6 =	vmul.f32 v44, v16;
	v47 =	vpop (erf)  }
0x134: {  	v7 =	vmul.f32 v19, v7;
	v54 =	vmul.f32 v46, v8;
	[tilespmem:s23+$0xFFFFFFC0] =	vst v45;
	v49 =	vadd.f32 $1.258291200e+07, v18;
	v50 =	vpop (erf)  }
0x135: {  	v60 =	vmul.f32 v51, v8;
	[tilespmem:s23+$0xFFFFFFD0] =	vst v48;
	v6 =	vadd.f32 $1.258291200e+07, v6;
	v55 =	vmul.f32 v47, v15;
	v53 =	vpop (erf)  }
0x136: {  	[tilespmem:s23+$0xFFFFFFE0] =	vst v5;
	v16 =	vadd.f32 $-1.258291200e+07, v49;
	v12 =	vmul.f32 v47, v12;
	v17 =	vmul.f32 v53, v17  }
0x137: {  	[tilespmem:s23+$0xFFFFFFF0] =	vst v52;
	v6 =	vadd.f32 $-1.258291200e+07, v6;
	v10 =	vmul.f32 v53, v10;
	v11 =	vadd.f32 $1.258291200e+07, v55  }
0x138: {  	[tilespmem:s23+$0x20] =	vst v7;
	v57 =	vmul.f32 v50, v13;
	v5 =	vmul.f32 v16, v22;
	v56 =	vadd.f32 $1.258291200e+07, v17  }
0x139: {  	[tilespmem:s23+$0x0] =	vst v54;
	v58 =	vmul.f32 v50, v14;
	v10 =	vadd.f32 $1.258291200e+07, v10;
	v11 =	vadd.f32 $-1.258291200e+07, v11  }
0x13a: {  	v6 =	vmul.f32 v6, v22;
	[tilespmem:s24+$0x30] =	vst v5;
	v5 =	vadd.f32 $1.258291200e+07, v12;
	v59 =	vadd.f32 $-1.258291200e+07, v56  }
0x13b: {  	[tilespmem:s23+$0x10] =	vst v60;
	v9 =	vadd.f32 $1.258291200e+07, v57;
	v10 =	vadd.f32 $-1.258291200e+07, v10;
	v63 =	vmul.f32 v11, v23  }
0x13c: {  	v62 =	vadd.f32 $1.258291200e+07, v58;
	[tilespmem:s24+$0x20] =	vst v6;
	v5 =	vadd.f32 $-1.258291200e+07, v5;
	v61 =	vmul.f32 v59, v24  }
0x13d: {  	v9 =	vadd.f32 $-1.258291200e+07, v9;
	v7 =	vmul.f32 v10, v24;
	[tilespmem:s24+$0xFFFFFFE0] =	vst v63  }
0x13e: {  	v8 =	vadd.f32 $-1.258291200e+07, v62;
	v5 =	vmul.f32 v5, v23;
	[tilespmem:s24+$0xFFFFFFC0] =	vst v61  }
0x13f: {  	s31 =	sadd.s32 s21, s7;
	[tilespmem:s24+$0xFFFFFFD0] =	vst v7;
	v7 =	vmul.f32 v9, v25  }
0x140: {  	s22 =	sshll.u32 s31, $0x2;
	[tilespmem:s24+$0xFFFFFFF0] =	vst v5;
	v5 =	vmul.f32 v8, v25  }
0x141: {  	s22 =	sand.u32 $0x1FFFFF00, s22;
	[tilespmem:s24+$0x0] =	vst v7  }
.Ltmp4:
0x142: {  	s22 =	sadd.s32 s1, s22;
	[tilespmem:s24+$0x10] =	vst v5;
	(pc) =	sbr.rel @p0 .LBB2_8-.Ltmp4, $4  }
0x143: {  	[hbm4b:s22+s2] =	stream.linear.scatter [tilespmem:s16], [sflag:$0x3], $0xC800, $0x38;
	[tilespmem:$0x19C80] =	vst v63  }
0x144: {  	_ =	swait.ge [sflag:s13], $0xC800  }
0x145: {  	[sflag:s13] =	ssyncset.done $0x0  }
0x146: {  	[sflag:s13] =	ssyncadd.s32 $0xFFFF3800  }
0x147: {  	s21 =	sadd.s32 s21, s11  }
0x148: {  	s21 =	sshrl.u32 s21, $0x3  }
0x149: {  	s21 =	sadd.s32 s6, s21  }
0x14a: {  	[tilespmem:s14], [sflag:$0x3] =	stream.linear.gather [hbm4b:s21+s2], $0x640, $0x38;
	[tilespmem:$0x19C80] =	vst v63  }
.Ltmp5:
0x14b: {  	_ = 	snop;
	(pc) =	sbr.rel .LBB2_2-.Ltmp5, $4  }
0x14c: {  	_ =	swait.ge [sflag:s13], $0x640  }
0x14d: {  	[sflag:s13] =	ssyncset.done $0x0  }
0x14e: {  	s20 =	sadd.s32 $0x1, s20;
	[sflag:s13] =	ssyncadd.s32 $0xFFFFF9C0  }
0x14f: {  	[tilespmem:s16], [sflag:$0x2] =	stream.indirect.gather [hbm4b:s5+s14], $0x20, s14, s14, $0xb8;
	[tilespmem:$0x19C80] =	vst v63  }
.LBB2_9:
0x150: {  	_ =	sfence.sel $0x180000  }
0x151: {  	[bflag:$0x0] =	sbarrier.arrive $0xFFFF  }
0x152: {  	p0 =	sne.s32 s3, $0x0;
	_ =	strace $0x90000047  }
0x153: {  	s0 =	sadd.s32 @!p0 $0x100000, s0;
	[bflag:$0x2] =	sbarrier.arrive $0xFFFF  }
0x154: {  	[sflag:s0] =	ssyncadd.tile.s32 @!p0 $0x1;
	_ =	shalt  }
.Lfunc_end2:
_tile_overlayer_lowered:
.L_overlay_start_2:
0x155: {  	(tag) =	ssettag $0x2  }
0x156: {  	s0 =	rddreg [dreg:$0x0];
	s2 =	stileid.u32  }
0x157: {  	s1 =	rddreg [dreg:$0x1];
	p0 =	sne.s32 s2, $0x0  }
0x158: {  	s3 =	rddreg [dreg:$0x2];
	[bflag:$0x3] =	sbarrier.arrive $0xFFFF;
	s2 =	simm.s32 @!p0 $0x1C03  }
0x159: {  	[timem:s3], [sflag:s2] =	dma.local @!p0 [hbm:s0], s1  }
0x15a: {  	s0 =	simm.s32 @!p0 $0x3  }
0x15b: {  	_ =	swait.ge @!p0 [sflag:s0], s1  }
0x15c: {  	s1 =	ssub.s32 @!p0 $0x0, s1;
	[sflag:s0] =	ssyncset.done @!p0 $0x0  }
0x15d: {  	[sflag:s0] =	ssyncadd.s32 @!p0 s1  }
0x15e: {  	[bflag:$0x3] =	sbarrier.arrive $0xFFFF  }
0x15f: {  	_ =	shalt  }

// kernel: sparse-core-data-format-call.1.cloned.1.call-start
scs
called_computation.1_lowered:
.L_overlay_start_0:
0x0: {  	s2 =	sld [smem:$0x3FD9]  }
0x1: {  	s3 =	sld [smem:$0x3FFE];
	_ =	sdelay $0x1  }
0x2: {  	s1 =	srdreg.scid  }
0x3: {  	s0 =	sand.u32 $0x1, s1  }
0x4: {  	s18 =	sshll.u32 s0, $0xA;
	s2 =	sadd.s32 s3, s2  }
0x5: {  	s2 =	sadd.s32 s2, s18  }
0x6: {  	[smem:$0x3FC6] =	sst s2  }
0x7: {  	_ = 	snop  }
0x8: {  	s2 =	sld [smem:$0x3FD0];
	(tm) =	ssettm $0x1  }
0x9: {  	s19 =	sld [smem:$0x3FFB];
	_ =	sdelay $0x3  }
0xa: {  	_ =	strace s19  }
0xb: {  	s3 =	sld [smem:$0x3FFC];
	_ =	sdelay $0x3  }
0xc: {  	_ =	strace s3  }
0xd: {  	s3 =	sld [smem:$0x3FFD];
	_ =	sdelay $0x3  }
0xe: {  	_ =	strace s3  }
0xf: {  	_ =	strace $0x8FFFFFFF  }
0x10: {  	s20 =	sld [smem:$0x3FDB];
	_ =	sdelay $0x1  }
0x11: {  	s4 =	simm.s32 $_scs_section_size  }
0x12: {  	s5 =	simm.s32 $_size__tile_overlayer_lowered;
	s6 =	simm.s32 $_tile_overlayer_lowered  }
0x13: {  	s23 =	simm.s32 $0x1BFF;
	s22 =	sshll.u32 s6, $0x1;
	s3 =	sadd.s32 s4, s20  }
0x14: {  	s7 =	simm.s32 $0x0;
	s21 =	sshll.u32 s5, $0x1;
	s5 =	sadd.s32 s22, s3  }
0x15: {  	[timem:s7], [sflag:s23] =	dma.local [hbm:s5], s21  }
0x16: {  	_ =	swait.ge [sflag:s23], s21  }
0x17: {  	s4 =	ssub.s32 $0x0, s21;
	[sflag:s23] =	ssyncset.done $0x0  }
0x18: {  	[sflag:s23] =	ssyncadd.s32 s4;
	_ =	sdelay $0x1  }
0x19: {  	s24 =	simm.s32 $0x1B8B  }
0x1a: {  	_ =	swait.ge [sflag:s24], $0x1  }
0x1b: {  	[sflag:s24] =	ssyncset.done $0x0  }
0x1c: {  	s26 =	simm.s32 $0x1B8E;
	s25 =	sld [smem:$0x3FFE];
	[sflag:s24] =	ssyncadd.s32 $0xFFFFFFFF  }
0x1d: {  	s27 =	simm.s32 $execute0_lowered;
	[smem:$0x3FD2] =	sst s26  }
0x1e: {  	s5 =	sshll.u32 s27, $0x1;
	_ =	strace $0x80000049;
	[dreg:$0x1] =	wrdreg $0xFFFFFFFF  }
0x1f: {  	s28 =	simm.s32 $_size_execute0_lowered;
	s3 =	sadd.s32 s3, s5;
	[dreg:$0x0] =	wrdreg $0x0  }
0x20: {  	s5 =	sshll.u32 s28, $0x1;
	[dreg:$0x2] =	wrdreg s3  }
0x21: {  	[dreg:$0x3] =	wrdreg s5  }
0x22: {  	[dreg:$0x4] =	wrdreg $0xC0  }
0x23: {  	_ =	task [dreg:s7], $0x5FFFF  }
0x24: {  	[dreg:$0x1] =	wrdreg $0xFFFFFFFF  }
0x25: {  	[dreg:$0x0] =	wrdreg $0x60  }
0x26: {  	[dreg:$0x2] =	wrdreg s25  }
0x27: {  	[dreg:$0x3] =	wrdreg s2  }
0x28: {  	[dreg:$0x4] =	wrdreg $0x9  }
0x29: {  	_ =	task.clear_ibuf [dreg:s7], $0x5FFFF;
	_ =	strace $0x90000049  }
0x2a: {  	s29 =	simm.s32 $0x9;
	_ =	strace $0x8000004B  }
0x2b: {  	_ =	swait.ge [sflag:s29], $0x1  }
0x2c: {  	[sflag:s29] =	ssyncadd.s32 $0xFFFFFFFF  }
0x2d: {  	_ =	strace $0x9000004B  }
0x2e: {  	_ =	sfence  }
0x2f: {  	s30 =	sld [smem:$0x0];
	_ =	sdelay $0x2  }
0x30: {  	s31 =	sshll.u32 s1, $0xD;
	s1 =	sshrl.u32 s1, $0x2  }
0x31: {  	s3 =	sand.u32 $0x4000, s31;
	s1 =	sadd.s32 s1, s30  }
0x32: {  	s0 =	sor.u32 s3, s0;
	s1 =	sshll.u32 s1, $0x11  }
0x33: {  	s0 =	sor.u32 s1, s0  }
0x34: {  	s0 =	sadd.s32 $0x8F2B, s0  }
0x35: {  	[sflag:s0] =	ssyncadd.remote.s32 $0x1  }
0x36: {  	_ =	sfence.sel $0xFFFF  }
0x37: {  	[dreg:$0x0] =	wrdreg $0xFFFFFFFF;
	(pc) =	sbr.abs _section_cstart, $3  }
0x38: {  	[dreg:$0x1] =	wrdreg $0xFFFFFFFF  }
0x39: {  	_ =	task.clear_ibuf [dreg:s7], $0x2FFFF;
	_ =	strace $0x9FFFFFFF  }
0x3a: {  	(tm) =	ssettm $0x7FFFFFFF  }
0x3b: {  	_ =	shalt  }
tec
execute0_lowered:
.L_overlay_start_1:
0x0: {  	(tag) =	ssettag $0x1  }
0x1: {  	s0 =	srdreg.scid  }
0x2: {  	s1 =	sshll.u32 s0, $0x4  }
0x3: {  	s4 =	rddreg [dreg:$0x0];
	s0 =	stileid.u32;
	s1 =	sand.u32 $0x10, s1  }
0x4: {  	s2 =	rddreg [dreg:$0x1];
	s7 =	simm.s32 $0x1;
	s1 =	sor.u32 s0, s1  }
0x5: {  	s8 =	simm.s32 $0x2;
	s11 =	simm.s32 $0x0;
	s3 =	sshll.u32 s1, $0x7  }
0x6: {  	s10 =	simm.s32 $0x0;
	s4 =	sadd.s32 $0xE00, s4;
	s6 =	ssub.s32 $0xC8000, s3  }
.Ltmp0:
0x7: {  	s1 =	rddreg [dreg:$0x2];
	s5 =	sand.u32 $0xF80, s6;
	(pc) =	sbr.rel .LBB1_1-.Ltmp0, $4  }
0x8: {  	_ =	strace $0x8000004A;
	s9 =	smov.u32 s3;
	p0 =	sne.s32 s5, $0x0  }
0x9: {  	s6 =	sshrl.u32 s6, $0xC;
	s5 =	simm.s32 $0x1;
	s7 =	simm.s32 @!p0 $0x0  }
0xa: {  	[sflag:s5] =	ssyncpa.u1 $0x0;
	p0 =	por $0x0, $0x0;
	s6 =	sadd.s32 s7, s6  }
0xb: {  	[sflag:s8] =	ssyncpa.u1 $0x0;
	s8 =	simm.s32 $0x640000;
	s7 =	sadd.s32 $0x1, s6  }
.LBB1_4:
0xc: {  	s14 =	sshll.u32 s11, $0x3  }
0xd: {  	s30 =	sand.u32 $0x7F, s11;
	s15 =	sand.u32 $0xFFFFFC00, s14  }
0xe: {  	s11 =	sor.u32 s30, s15  }
0xf: {  	s15 =	smulhi.u32 $0x51EB851F, s11  }
0x10: {  	s14 =	smulhi.u32 $0x51EB851F, s14  }
0x11: {  	s15 =	sshrl.u32 s15, $0x12  }
0x12: {  	s14 =	sshrl.u32 s14, $0x12;
	s15 =	smul.u32 $0xC8000, s15  }
0x13: {  	s14 =	sand.u32 $0x1F, s14  }
0x14: {  	s14 =	smul.u32 $0x19000, s14;
	s11 =	ssub.s32 s11, s15  }
0x15: {  	s15 =	sand.u32 $0x7, s11  }
0x16: {  	s14 =	sadd.s32 s2, s14;
	s11 =	sshrl.u32 s11, $0x3;
	s15 =	sshll.u32 s15, $0x12  }
0x17: {  	[tilespmem:s13+$0x0 ss:$0x81] =	vst.msk $0xffff, v0;
	s11 =	sadd.s32 s11, s14;
	s31 =	sor.u32 $0x400, s15  }
0x18: {  	[hbm4b:s11+s31] =	stream.strided.scatter [tilespmem:s12], [sflag:$0x2], $0x1000, s8, s31, $0x20;
	[tilespmem:$0x4040] =	vst v63  }
.LBB1_5:
0x19: {  	s13 =	sadd.s32 $0x1000, s9  }
0x1a: {  	p2 =	sgt.s32 s13, $0xC7FFF  }
0x1b: {  	s13 =	smov.u32 @p2 s3;
	p2 =	sne.s32 s10, s7  }
.Ltmp1:
0x1c: {  	p1 =	slt.u32 s10, $0x2;
	(pc) =	sbr.rel @!p2 .LBB1_6-.Ltmp1, $4  }
0x1d: {  	s12 =	simm.s32 @!p1 $0x2  }
0x1e: {  	s14 =	sadd.s32 $0x1, s10;
	_ =	swait.ge @!p1 [sflag:s12], $0x1000  }
0x1f: {  	s11 =	smov.u32 s9;
	p0 =	por !p0, !p0;
	[sflag:s12] =	ssyncset.done @!p1 $0x0  }
0x20: {  	s10 =	smov.u32 s14;
	s9 =	smov.u32 s13;
	[sflag:s12] =	ssyncadd.s32 @!p1 $0xFFFFF000  }
.LBB1_1:
0x21: {  	p1 =	sge.u32 s10, s6  }
0x22: {  	s12 =	sand.u32 @!p1 $0x1FFFFFF, s9  }
0x23: {  	s13 =	smulhi.u32 @!p1 $0x147AE15, s12;
	_ =	sdelay $0x1  }
0x24: {  	s13 =	sshrl.u32 @!p1 s13, $0xC  }
0x25: {  	s13 =	smul.u32 @!p1 $0xC8000, s13;
	_ =	sdelay $0x1  }
0x26: {  	s31 =	sadd.s32 $0xFFFFFFFF, s10;
	s14 =	sxor.u32 @!p1 $0xFFFFFFFF, s10;
	s12 =	ssub.s32 @!p1 s12, s13  }
0x27: {  	s15 =	simm.s32 @!p1 $0x80;
	s14 =	sshll.u32 @!p1 s14, $0xC;
	s12 =	sshll.u32 @!p1 s12, $0x4  }
0x28: {  	s13 =	sand.u32 @!p1 $0x1000, s14;
	s14 =	simm.s32 @!p1 $0x20;
	s12 =	sadd.s32 @!p1 s4, s12  }
0x29: {  	[tilespmem:s13], [sflag:$0x1] =	stream.strided.gather @!p1 [hbm4b:s12+s14], $0x1000, s15, s14, $0x38;
	[tilespmem:$0x4040] =	vst v63  }
0x2a: {  	p1 =	sge.u32 s31, s6  }
.Ltmp2:
0x2b: {  	_ = 	snop;
	(pc) =	sbr.rel @p1 .LBB1_5-.Ltmp2, $1  }
0x2c: {  	_ =	sdelay $0x3  }
0x2d: {  	s12 =	simm.s32 $0x1  }
0x2e: {  	_ =	swait.ge [sflag:s5], $0x1000;
	s12 =	simm.s32 @!p0 $0x0  }
0x2f: {  	[sflag:s5] =	ssyncset.done $0x0;
	s13 =	sshll.u32 s12, $0xC  }
0x30: {  	[sflag:s5] =	ssyncadd.s32 $0xFFFFF000;
	s16 =	sor.u32 $0x10, s13  }
0x31: {  	s12 =	smul.u32 $0x4080, s12;
	v1 =	vld [tilespmem:s16+$0x0]  }
0x32: {  	s30 =	sand.u32 $0x1, s10;
	v0 =	vld [tilespmem:s16+$0xFFFFFFF0]  }
0x33: {  	s13 =	smul.u32 $0x4080, s30;
	s12 =	sshrl.u32 s12, $0x2  }
0x34: {  	s14 =	sor.u32 $0x2000, s12  }
0x35: {  	s31 =	sshrl.u32 s13, $0x2;
	s13 =	sadd.s32 $0x0, s14  }
0x36: {  	s15 =	simm.s32 $0x4;
	s16 =	sadd.s32 $0x20, s16;
	s12 =	sor.u32 $0x2000, s31;
	[tilespmem:s13+$0x810 ss:$0x81] =	vst.msk $0xffff, v1  }
.LBB1_3:
0x37: {  	v1 =	vld [tilespmem:s16+$0x0];
	p1 =	sne.s32 s15, $0x1FC;
	[tilespmem:s13+$0x0 ss:$0x81] =	vst.msk $0xffff, v0;
	s13 =	smov.u32 s15;
	s15 =	sadd.s32 $0x4, s15  }
.Ltmp3:
0x38: {  	v0 =	vld [tilespmem:s16+$0xFFFFFFF0];
	(pc) =	sbr.rel @p1 .LBB1_3-.Ltmp3, $4  }
0x39: {  	_ = 	snop  }
0x3a: {  	s13 =	sshra.s32 s13, $0x2  }
0x3b: {  	s13 =	sadd.s32 s13, s14  }
0x3c: {  	s16 =	sadd.s32 $0x20, s16;
	[tilespmem:s13+$0x810 ss:$0x81] =	vst.msk $0xffff, v1  }
.Ltmp4:
0x3d: {  	_ = 	snop;
	(pc) =	sbr.rel .LBB1_4-.Ltmp4, $1  }
0x3e: {  	_ =	sdelay $0x3  }
.LBB1_6:
0x3f: {  	_ =	sfence.sel $0x180000  }
0x40: {  	s2 =	simm.s32 $0x1;
	[bflag:$0x0] =	sbarrier.arrive $0xFFFF  }
0x41: {  	s31 =	simm.s32 $0x2;
	[sflag:s2] =	ssyncpa.u1 $0x1  }
0x42: {  	[sflag:s31] =	ssyncpa.u1 $0x1  }
0x43: {  	p0 =	sne.s32 s0, $0x0;
	_ =	strace $0x9000004A  }
0x44: {  	s0 =	sadd.s32 @!p0 $0x100000, s1;
	[bflag:$0x2] =	sbarrier.arrive $0xFFFF  }
0x45: {  	[sflag:s0] =	ssyncadd.tile.s32 @!p0 $0x1;
	_ =	shalt  }
.Lfunc_end1:
_tile_overlayer_lowered:
.L_overlay_start_2:
0x46: {  	(tag) =	ssettag $0x2  }
0x47: {  	s0 =	rddreg [dreg:$0x0];
	s2 =	stileid.u32  }
0x48: {  	s1 =	rddreg [dreg:$0x1];
	p0 =	sne.s32 s2, $0x0  }
0x49: {  	s3 =	rddreg [dreg:$0x2];
	[bflag:$0x3] =	sbarrier.arrive $0xFFFF;
	s2 =	simm.s32 @!p0 $0x1C01  }
0x4a: {  	[timem:s3], [sflag:s2] =	dma.local @!p0 [hbm:s0], s1  }
0x4b: {  	s0 =	simm.s32 @!p0 $0x1  }
0x4c: {  	_ =	swait.ge @!p0 [sflag:s0], s1  }
0x4d: {  	s1 =	ssub.s32 @!p0 $0x0, s1;
	[sflag:s0] =	ssyncset.done @!p0 $0x0  }
0x4e: {  	[sflag:s0] =	ssyncadd.s32 @!p0 s1  }
0x4f: {  	[bflag:$0x3] =	sbarrier.arrive $0xFFFF  }
0x50: {  	_ =	shalt  }

// kernel: sparse-core-data-format-call.cloned.1.call-start
scs
called_computation_lowered:
.L_overlay_start_0:
0x0: {  	s2 =	sld [smem:$0x3FD9]  }
0x1: {  	s3 =	sld [smem:$0x3FFE];
	_ =	sdelay $0x1  }
0x2: {  	s1 =	srdreg.scid  }
0x3: {  	s0 =	sand.u32 $0x1, s1  }
0x4: {  	s18 =	sshll.u32 s0, $0xA;
	s2 =	sadd.s32 s3, s2  }
0x5: {  	s2 =	sadd.s32 s2, s18  }
0x6: {  	[smem:$0x3FC6] =	sst s2  }
0x7: {  	_ = 	snop  }
0x8: {  	s2 =	sld [smem:$0x3FD0];
	(tm) =	ssettm $0x1  }
0x9: {  	s19 =	sld [smem:$0x3FFB];
	_ =	sdelay $0x3  }
0xa: {  	_ =	strace s19  }
0xb: {  	s3 =	sld [smem:$0x3FFC];
	_ =	sdelay $0x3  }
0xc: {  	_ =	strace s3  }
0xd: {  	s3 =	sld [smem:$0x3FFD];
	_ =	sdelay $0x3  }
0xe: {  	_ =	strace s3  }
0xf: {  	_ =	strace $0x8FFFFFFF  }
0x10: {  	s20 =	sld [smem:$0x3FDB];
	_ =	sdelay $0x1  }
0x11: {  	s4 =	simm.s32 $_scs_section_size  }
0x12: {  	s5 =	simm.s32 $_size__tile_overlayer_lowered;
	s6 =	simm.s32 $_tile_overlayer_lowered  }
0x13: {  	s23 =	simm.s32 $0x1BFF;
	s22 =	sshll.u32 s6, $0x1;
	s3 =	sadd.s32 s4, s20  }
0x14: {  	s7 =	simm.s32 $0x0;
	s21 =	sshll.u32 s5, $0x1;
	s5 =	sadd.s32 s22, s3  }
0x15: {  	[timem:s7], [sflag:s23] =	dma.local [hbm:s5], s21  }
0x16: {  	_ =	swait.ge [sflag:s23], s21  }
0x17: {  	s4 =	ssub.s32 $0x0, s21;
	[sflag:s23] =	ssyncset.done $0x0  }
0x18: {  	[sflag:s23] =	ssyncadd.s32 s4;
	_ =	sdelay $0x1  }
0x19: {  	s24 =	simm.s32 $0x1B8B  }
0x1a: {  	_ =	swait.ge [sflag:s24], $0x1  }
0x1b: {  	[sflag:s24] =	ssyncset.done $0x0  }
0x1c: {  	s26 =	simm.s32 $0x1B8E;
	s25 =	sld [smem:$0x3FFE];
	[sflag:s24] =	ssyncadd.s32 $0xFFFFFFFF  }
0x1d: {  	s27 =	simm.s32 $execute0_lowered;
	[smem:$0x3FD2] =	sst s26  }
0x1e: {  	s5 =	sshll.u32 s27, $0x1;
	_ =	strace $0x8000004C;
	[dreg:$0x1] =	wrdreg $0xFFFFFFFF  }
0x1f: {  	s28 =	simm.s32 $_size_execute0_lowered;
	s3 =	sadd.s32 s3, s5;
	[dreg:$0x0] =	wrdreg $0x0  }
0x20: {  	s5 =	sshll.u32 s28, $0x1;
	[dreg:$0x2] =	wrdreg s3  }
0x21: {  	[dreg:$0x3] =	wrdreg s5  }
0x22: {  	[dreg:$0x4] =	wrdreg $0xC0  }
0x23: {  	_ =	task [dreg:s7], $0x5FFFF  }
0x24: {  	[dreg:$0x1] =	wrdreg $0xFFFFFFFF  }
0x25: {  	[dreg:$0x0] =	wrdreg $0x60  }
0x26: {  	[dreg:$0x2] =	wrdreg s25  }
0x27: {  	[dreg:$0x3] =	wrdreg s2  }
0x28: {  	[dreg:$0x4] =	wrdreg $0x9  }
0x29: {  	_ =	task.clear_ibuf [dreg:s7], $0x5FFFF;
	_ =	strace $0x9000004C  }
0x2a: {  	s29 =	simm.s32 $0x9;
	_ =	strace $0x8000004E  }
0x2b: {  	_ =	swait.ge [sflag:s29], $0x1  }
0x2c: {  	[sflag:s29] =	ssyncadd.s32 $0xFFFFFFFF  }
0x2d: {  	_ =	strace $0x9000004E  }
0x2e: {  	_ =	sfence  }
0x2f: {  	s30 =	sld [smem:$0x0];
	_ =	sdelay $0x2  }
0x30: {  	s31 =	sshll.u32 s1, $0xD;
	s1 =	sshrl.u32 s1, $0x2  }
0x31: {  	s3 =	sand.u32 $0x4000, s31;
	s1 =	sadd.s32 s1, s30  }
0x32: {  	s0 =	sor.u32 s3, s0;
	s1 =	sshll.u32 s1, $0x11  }
0x33: {  	s0 =	sor.u32 s1, s0  }
0x34: {  	s0 =	sadd.s32 $0x8F2B, s0  }
0x35: {  	[sflag:s0] =	ssyncadd.remote.s32 $0x1  }
0x36: {  	_ =	sfence.sel $0xFFFF  }
0x37: {  	[dreg:$0x0] =	wrdreg $0xFFFFFFFF;
	(pc) =	sbr.abs _section_cstart, $3  }
0x38: {  	[dreg:$0x1] =	wrdreg $0xFFFFFFFF  }
0x39: {  	_ =	task.clear_ibuf [dreg:s7], $0x2FFFF;
	_ =	strace $0x9FFFFFFF  }
0x3a: {  	(tm) =	ssettm $0x7FFFFFFF  }
0x3b: {  	_ =	shalt  }
tec
execute0_lowered:
.L_overlay_start_1:
0x0: {  	(tag) =	ssettag $0x1  }
0x1: {  	s8 =	rddreg [dreg:$0x0]  }
0x2: {  	s2 =	rddreg [dreg:$0x1];
	s1 =	stileid.u32  }
0x3: {  	s4 =	srdreg.scid;
	s0 =	rddreg [dreg:$0x2];
	_ =	strace $0x8000004D  }
0x4: {  	s9 =	simm.s32 $0x1;
	s31 =	simm.s32 $0x2;
	s16 =	simm.s32 $0x0  }
0x5: {  	s17 =	simm.s32 $0x0;
	s11 =	simm.s32 $0x0;
	s12 =	simm.s32 $0x0  }
0x6: {  	s15 =	simm.s32 $0x0;
	s3 =	sshll.u32 s1, $0x1;
	s4 =	sshll.u32 s4, $0x7  }
0x7: {  	s4 =	sand.u32 $0x80, s4;
	s5 =	ssub.s32 $0x20, s3;
	s14 =	smov.u32 s3  }
0x8: {  	s6 =	sshrl.u32 s5, $0x5;
	s5 =	sand.u32 $0x1E, s5;
	s7 =	ssub.s32 $0x4000, s4  }
0x9: {  	p0 =	sne.s32 s5, $0x0;
	s30 =	sshrl.u32 s7, $0x7;
	s7 =	sshrl.u32 s7, $0x8  }
.Ltmp0:
0xa: {  	s9 =	simm.s32 @!p0 $0x0;
	s10 =	sand.u32 $0x1, s30;
	(pc) =	sbr.rel .LBB1_1-.Ltmp0, $4  }
0xb: {  	s5 =	simm.s32 $0x1;
	s6 =	sadd.s32 s9, s6;
	s7 =	sadd.s32 s7, s10  }
0xc: {  	s13 =	smov.u32 s4;
	[sflag:s5] =	ssyncpa.u1 $0x0;
	s6 =	smul.u32 s6, s7  }
0xd: {  	p0 =	por $0x0, $0x0;
	[sflag:s31] =	ssyncpa.u1 $0x0;
	s10 =	simm.s32 $0x80000  }
0xe: {  	s7 =	sadd.s32 $0xE00, s8;
	s8 =	sadd.s32 $0x40E00, s8;
	s9 =	sadd.s32 $0x1, s6  }
.LBB1_7:
0xf: {  	p1 =	slt.u32 s15, $0x2  }
0x10: {  	s19 =	smov.u32 s17;
	p2 =	sgt.s32 @!p1 s17, $0x1E;
	s18 =	sshra.s32 @!p1 s17, $0x1F  }
0x11: {  	p3 =	sgt.s32 @!p1 s16, $0x3F80;
	s20 =	sshra.s32 @!p1 s16, $0x1F;
	p2 =	por !p2, p1  }
0x12: {  	s17 =	sand.u32 @!p1 s18, s17;
	p3 =	por !p3, p1;
	s18 =	smov.u32 s16  }
0x13: {  	s16 =	sand.u32 @!p1 s20, s16;
	s19 =	simm.s32 @p2 $0x1E;
	s18 =	simm.s32 @p3 $0x3F80  }
0x14: {  	s20 =	smov.u32 s14;
	s17 =	ssub.s32 @!p1 s19, s17;
	s16 =	ssub.s32 @!p1 s18, s16  }
0x15: {  	s18 =	sadd.s32 @!p1 $0xFFFFFFE2, s17;
	s17 =	ssub.s32 @!p1 $0x20, s17;
	s19 =	sadd.s32 @!p1 $0xFFFFC080, s16  }
0x16: {  	p2 =	sgt.s32 @!p1 s18, $0x1;
	s17 =	smul.u32 @!p1 $0x32, s17;
	p3 =	sgt.s32 @!p1 s19, $0x7F  }
0x17: {  	s16 =	ssub.s32 @!p1 $0x4000, s16;
	p2 =	por !p2, p1;
	p3 =	por !p3, p1  }
0x18: {  	s18 =	sadd.s32 $0x100, s13;
	s17 =	simm.s32 @!p2 $0x0;
	s16 =	simm.s32 @!p3 $0x0  }
0x19: {  	p2 =	sgt.s32 s18, $0x3FFF;
	s16 =	smul.u32 @!p1 s16, s17;
	s17 =	sadd.s32 $0x20, s14  }
0x1a: {  	s20 =	smov.u32 @p2 s17  }
0x1b: {  	s18 =	smov.u32 @p2 s4;
	p2 =	sgt.s32 s20, $0x1F  }
0x1c: {  	s20 =	smov.u32 @p2 s3;
	p2 =	sne.s32 s15, s9  }
.Ltmp1:
0x1d: {  	p0 =	por !p0, !p0;
	s19 =	simm.s32 @!p1 $0x2;
	(pc) =	sbr.rel @!p2 .LBB1_8-.Ltmp1, $4  }
0x1e: {  	s17 =	smov.u32 s12;
	s12 =	smov.u32 s14;
	s16 =	sand.u32 @!p1 $0x3FFFFFFE, s16  }
0x1f: {  	_ =	swait.ge @!p1 [sflag:s19], s16;
	s21 =	ssub.s32 @!p1 $0x0, s16;
	s16 =	smov.u32 s11  }
0x20: {  	s15 =	sadd.s32 $0x1, s15;
	s11 =	smov.u32 s13;
	[sflag:s19] =	ssyncset.done @!p1 $0x0  }
0x21: {  	s13 =	smov.u32 s18;
	s14 =	smov.u32 s20;
	[sflag:s19] =	ssyncadd.s32 @!p1 s21  }
.LBB1_1:
0x22: {  	p1 =	sge.u32 s15, s6  }
0x23: {  	s18 =	sxor.u32 @!p1 $0xFFFFFFFF, s15;
	s19 =	sshll.u32 @!p1 s14, $0x12  }
0x24: {  	s20 =	sshll.u32 @!p1 s13, $0x4;
	s22 =	simm.s32 @!p1 $0x40;
	s23 =	simm.s32 @!p1 $0x80  }
0x25: {  	s18 =	sshll.u32 @!p1 s18, $0xE;
	s20 =	sand.u32 @!p1 $0x3FFF0, s20;
	s21 =	sadd.s32 @!p1 s7, s19  }
0x26: {  	s19 =	sadd.s32 @!p1 s19, s8;
	s18 =	sand.u32 @!p1 $0x4000, s18;
	s21 =	sadd.s32 @!p1 s20, s21  }
0x27: {  	[tilespmem:s18], [sflag:$0x1] =	stream.strided.gather @!p1 [hbm4b:s21+s22], $0x2000, s23, s22, $0x38;
	[tilespmem:$0x10100] =	vst v63  }
0x28: {  	s31 =	sadd.s32 $0xFFFFFFFF, s15;
	s19 =	sadd.s32 @!p1 s20, s19;
	s18 =	sor.u32 @!p1 $0x2000, s18  }
0x29: {  	[tilespmem:s18], [sflag:$0x1] =	stream.strided.gather @!p1 [hbm4b:s19+s22], $0x2000, s23, s22, $0x38;
	[tilespmem:$0x10100] =	vst v63  }
0x2a: {  	p1 =	sge.u32 s31, s6  }
.Ltmp2:
0x2b: {  	_ = 	snop;
	(pc) =	sbr.rel @p1 .LBB1_7-.Ltmp2, $1  }
0x2c: {  	_ =	sdelay $0x3  }
0x2d: {  	s18 =	simm.s32 $0x1;
	s20 =	sand.u32 $0x1, s15  }
0x2e: {  	_ =	swait.ge [sflag:s5], $0x4000;
	s18 =	simm.s32 @!p0 $0x0;
	s20 =	smul.u32 $0x10200, s20  }
0x2f: {  	p2 =	por $0x1, $0x1;
	[sflag:s5] =	ssyncset.done $0x0;
	s19 =	smul.u32 $0x10200, s18  }
0x30: {  	s21 =	sshll.u32 s18, $0x10;
	[sflag:s5] =	ssyncadd.s32 $0xFFFFC000;
	s30 =	sshrl.u32 s20, $0x2  }
0x31: {  	s31 =	sshrl.u32 s21, $0x2;
	s21 =	simm.s32 $0x0;
	s19 =	sshrl.u32 s19, $0x2  }
0x32: {  	s18 =	sor.u32 $0x8000, s30;
	s20 =	sadd.s32 $0x20, s31;
	s19 =	sor.u32 $0x8000, s19  }
.LBB1_3:
0x33: {  	s22 =	sshll.u32 s21, $0xD  }
0x34: {  	s22 =	sand.u32 $0x3FFFE000, s22  }
0x35: {  	s24 =	sadd.s32 s22, s20  }
0x36: {  	s31 =	smul.u32 $0x204, s21;
	v3 =	vld [tilespmem:s24+$0x10]  }
0x37: {  	v1 =	vld [tilespmem:s24+$0xFFFFFFF0]  }
0x38: {  	s21 =	sshra.s32 s31, $0x2;
	v0 =	vld [tilespmem:s24+$0x0]  }
0x39: {  	s21 =	sadd.s32 s21, s19;
	v2 =	vld [tilespmem:s24+$0xFFFFFFE0]  }
0x3a: {  	s22 =	sadd.s32 $0x0, s21  }
0x3b: {  	p1 =	por p2, p2;
	s23 =	simm.s32 $0x4;
	s24 =	sadd.s32 $0x40, s24;
	[tilespmem:s22+$0x3060 ss:$0x102] =	vst.msk $0xffff, v3  }
.LBB1_4:
0x3c: {  	v3 =	vld [tilespmem:s24+$0x10];
	p2 =	sne.s32 s23, $0x1FC;
	[tilespmem:s22+$0x1020 ss:$0x102] =	vst.msk $0xffff, v1;
	s25 =	smov.u32 s23;
	s23 =	sadd.s32 $0x4, s23  }
.Ltmp3:
0x3d: {  	v1 =	vld [tilespmem:s24+$0xFFFFFFF0];
	[tilespmem:s22+$0x2040 ss:$0x102] =	vst.msk $0xffff, v0;
	(pc) =	sbr.rel @p2 .LBB1_4-.Ltmp3, $4  }
0x3e: {  	v0 =	vld [tilespmem:s24+$0x0];
	[tilespmem:s22+$0x0 ss:$0x102] =	vst.msk $0xffff, v2  }
0x3f: {  	s22 =	sshra.s32 s25, $0x2;
	v2 =	vld [tilespmem:s24+$0xFFFFFFE0]  }
0x40: {  	s22 =	sadd.s32 s22, s21  }
0x41: {  	s24 =	sadd.s32 $0x40, s24;
	[tilespmem:s22+$0x3060 ss:$0x102] =	vst.msk $0xffff, v3  }
.Ltmp4:
0x42: {  	(pc) =	sbr.rel @p1 .LBB1_3-.Ltmp4, $4  }
0x43: {  	_ = 	snop  }
0x44: {  	[tilespmem:s22+$0x1020 ss:$0x102] =	vst.msk $0xffff, v1  }
0x45: {  	[tilespmem:s22+$0x2040 ss:$0x102] =	vst.msk $0xffff, v0  }
0x46: {  	s21 =	simm.s32 $0x1;
	p2 =	por $0x0, $0x0;
	[tilespmem:s22+$0x0 ss:$0x102] =	vst.msk $0xffff, v2  }
0x47: {  	s19 =	sand.u32 $0x78, s11;
	p1 =	sgt.s32 s12, $0x1E;
	s20 =	smov.u32 s12  }
0x48: {  	s21 =	sshra.s32 s12, $0x1F;
	s22 =	sshll.u32 s12, $0xE;
	s23 =	sshll.u32 s11, $0x3  }
0x49: {  	s30 =	sshra.s32 s11, $0x1F;
	s25 =	sshll.u32 s12, $0x7;
	s20 =	simm.s32 @!p1 $0x1E  }
0x4a: {  	s21 =	sand.u32 s21, s12;
	s22 =	sand.u32 $0x60000, s22;
	p1 =	sgt.s32 s11, $0x3F80  }
0x4b: {  	s25 =	sand.u32 $0x380, s25;
	s20 =	ssub.s32 s20, s21;
	s21 =	smov.u32 s11  }
0x4c: {  	s22 =	sadd.s32 s22, s23;
	s24 =	sadd.s32 $0xFFFFFFE2, s20;
	s21 =	simm.s32 @!p1 $0x3F80  }
0x4d: {  	s20 =	ssub.s32 $0x20, s20;
	p1 =	sgt.s32 s24, $0x1;
	s24 =	sand.u32 s30, s11  }
0x4e: {  	s23 =	sand.u32 $0x3C00, s23;
	s20 =	smul.u32 $0x32, s20;
	s21 =	ssub.s32 s21, s24  }
0x4f: {  	s19 =	sor.u32 s25, s19;
	s22 =	sand.u32 $0x7C000, s22;
	s24 =	sadd.s32 $0xFFFFC080, s21  }
0x50: {  	s20 =	simm.s32 @p1 $0x0;
	s21 =	ssub.s32 $0x4000, s21;
	p1 =	sgt.s32 s24, $0x7F  }
.Ltmp5:
0x51: {  	s19 =	sor.u32 s23, s19;
	s21 =	simm.s32 @p1 $0x0;
	(pc) =	sbr.rel .LBB1_7-.Ltmp5, $4  }
0x52: {  	s31 =	sand.u32 $0x7, s11;
	s19 =	sor.u32 s22, s19;
	s20 =	smul.u32 s21, s20  }
0x53: {  	s19 =	sshrl.u32 s19, $0x3;
	s21 =	sshll.u32 s31, $0x12  }
0x54: {  	s19 =	sadd.s32 s2, s19;
	s21 =	sor.u32 $0x100, s21;
	s20 =	sand.u32 $0x3FFFFFFE, s20  }
0x55: {  	[hbm4b:s19+s21] =	stream.strided.scatter [tilespmem:s18], [sflag:$0x2], s20, s10, s21, $0x20;
	[tilespmem:$0x10100] =	vst v63  }
.LBB1_8:
0x56: {  	_ =	sfence.sel $0x180000  }
0x57: {  	s2 =	simm.s32 $0x1;
	[bflag:$0x0] =	sbarrier.arrive $0xFFFF  }
0x58: {  	s31 =	simm.s32 $0x2;
	[sflag:s2] =	ssyncpa.u1 $0x1  }
0x59: {  	[sflag:s31] =	ssyncpa.u1 $0x1  }
0x5a: {  	p0 =	sne.s32 s1, $0x0;
	_ =	strace $0x9000004D  }
0x5b: {  	s0 =	sadd.s32 @!p0 $0x100000, s0;
	[bflag:$0x2] =	sbarrier.arrive $0xFFFF  }
0x5c: {  	[sflag:s0] =	ssyncadd.tile.s32 @!p0 $0x1;
	_ =	shalt  }
.Lfunc_end1:
_tile_overlayer_lowered:
.L_overlay_start_2:
0x5d: {  	(tag) =	ssettag $0x2  }
0x5e: {  	s0 =	rddreg [dreg:$0x0];
	s2 =	stileid.u32  }
0x5f: {  	s1 =	rddreg [dreg:$0x1];
	p0 =	sne.s32 s2, $0x0  }
0x60: {  	s3 =	rddreg [dreg:$0x2];
	[bflag:$0x3] =	sbarrier.arrive $0xFFFF;
	s2 =	simm.s32 @!p0 $0x1C01  }
0x61: {  	[timem:s3], [sflag:s2] =	dma.local @!p0 [hbm:s0], s1  }
0x62: {  	s0 =	simm.s32 @!p0 $0x1  }
0x63: {  	_ =	swait.ge @!p0 [sflag:s0], s1  }
0x64: {  	s1 =	ssub.s32 @!p0 $0x0, s1;
	[sflag:s0] =	ssyncset.done @!p0 $0x0  }
0x65: {  	[sflag:s0] =	ssyncadd.s32 @!p0 s1  }
0x66: {  	[bflag:$0x3] =	sbarrier.arrive $0xFFFF  }
0x67: {  	_ =	shalt  }

</sc_bundles>
